<compile_context>
chip_gen: v7x
topology: tpu7x:2x2x1
jax: 0.10.2.dev20260603
libtpu: 0.0.44.dev20260713+nightly
codegen_flags: <defaults>
</compile_context>

<pallas_src>
import functools

import jax
import jax.numpy as jnp
from jax import lax
from jax.experimental import pallas as pl
from jax.experimental.pallas import tpu as pltpu
from jax.experimental.pallas import tpu_sc as plsc


@functools.lru_cache(maxsize=None)
def _make_gather(B, V, D):
    info = plsc.get_sparse_core_info()
    NC, NS, L = info.num_cores, info.num_subcores, info.num_lanes
    NW = NC * NS
    assert B % NW == 0 and D == 64 and L == 16
    b_per_w = B // NW
    C = 320
    assert b_per_w % (2 * C) == 0
    n_chunks = b_per_w // C

    mesh = plsc.VectorSubcoreMesh(core_axis_name="c", subcore_axis_name="s")

    @functools.partial(
        pl.kernel,
        mesh=mesh,
        out_type=jax.ShapeDtypeStruct((B, D), jnp.float32),
        scratch_types=[
            pltpu.VMEM((n_chunks, C), jnp.int32),
            pltpu.VMEM((C, D), jnp.float32),
            pltpu.VMEM((C, D), jnp.float32),
            pltpu.SemaphoreType.DMA,
            pltpu.SemaphoreType.DMA,
        ],
    )
    def k(tokens_hbm, table_hbm, out_hbm, idx_v, rows0, rows1, sem0, sem1):
        wid = lax.axis_index("s") * NC + lax.axis_index("c")
        base = wid * b_per_w
        pltpu.sync_copy(tokens_hbm.at[wid], idx_v)

        def fire(j, buf, sem):
            def group(g, carry):
                v16 = idx_v[j, pl.ds(g * L, L)]
                band = jax.lax.shift_right_logical(v16, 3)
                sub = jax.lax.bitwise_and(v16, 7)
                for l in range(L):
                    pltpu.async_copy(
                        table_hbm.at[pl.ds(band[l], 1), pl.ds(sub[l], 1)],
                        buf.at[pl.ds(g * L + l, 1)].reshape(1, 1, D),
                        sem,
                    )
                return carry

            lax.fori_loop(0, C // L, group, 0)

        def drain(buf, sem):
            pltpu.make_async_copy(
                table_hbm.at[pl.ds(0, C // 8)], buf.reshape(C // 8, 8, D), sem
            ).wait()

        def write_out(j, buf):
            pltpu.sync_copy(buf, out_hbm.at[pl.ds(base + j * C, C)])

        fire(0, rows0, sem0)

        def body(jj, carry):
            j0 = 2 * jj
            fire(j0 + 1, rows1, sem1)
            drain(rows0, sem0)
            write_out(j0, rows0)

            @pl.when(j0 + 2 < n_chunks)
            def _():
                fire(j0 + 2, rows0, sem0)

            drain(rows1, sem1)
            write_out(j0 + 1, rows1)
            return carry

        lax.fori_loop(0, n_chunks // 2, body, 0)

    return k, NW, n_chunks, C


def kernel(tokens, table):
    Bb, T = tokens.shape
    V, D = table.shape
    B = Bb * T
    k, NW, n_chunks, C = _make_gather(B, V, D)
    idx = tokens.astype(jnp.int32).reshape(NW, n_chunks, C)
    tbl3 = table.reshape(V // 8, 8, D)
    out = k(idx, tbl3)
    return out.reshape(Bb, T, D)

# --- scband reference (transcript-rebuilt; emitter-appended) ---
"""Pipeline reference for scband-usual-embedding-28913719836746 (READ-ONLY COPY).

The authoritative reference and input builder live on the scoring server;
editing this copy changes nothing except your own understanding.
"""

import jax, jax.numpy as jnp
import numpy as np

NUM_EMBEDDINGS = 1000000
EMBED_DIM = 64
PADDING_IDX = 0


def setup_inputs(seed: int = 0) -> dict:
    key = jax.random.key(seed)
    k_tok, k_tab = jax.random.split(key)
    tokens = jax.random.randint(k_tok, (1024, 200), 0, NUM_EMBEDDINGS, dtype=jnp.int64 if jax.config.jax_enable_x64 else jnp.int32)
    table = jax.random.normal(k_tab, (NUM_EMBEDDINGS, EMBED_DIM), dtype=jnp.float32)
    # padding_idx row is zero-initialized, matching nn.Embedding semantics
    table = table.at[PADDING_IDX].set(0.0)
    return {"tokens": tokens, "table": table}


def reference(tokens, table):
    # UsualEmbedding forward (no pretrained vectors branch):
    # self.components = nn.Embedding(len(vocab), D_MODEL, padding_idx)
    # return self.components(tokens)
    return jnp.take(table, tokens, axis=0)

if __name__ == "__main__":
    import jax
    _d = setup_inputs()
    print(jax.jit(kernel)(*tuple(_d.values())))

</pallas_src>

<mosaic_0001>
#map = affine_map<(d0, d1) -> (0, 0, 0)>
#map1 = affine_map<(d0, d1) -> (0, 0)>
module attributes {stable_mosaic.version = 14 : i64} {
  func.func @k(%arg0: i32, %arg1: i32, %arg2: memref<32x20x320xi32, #tpu.memory_space<hbm>>, %arg3: memref<125000x8x64xf32, #tpu.memory_space<hbm>>, %arg4: memref<204800x64xf32, #tpu.memory_space<hbm>>, %arg5: memref<20x320xi32, #tpu.memory_space<vmem>>, %arg6: memref<320x64xf32, #tpu.memory_space<vmem>>, %arg7: memref<320x64xf32, #tpu.memory_space<vmem>>, %arg8: memref<!tpu.dma_semaphore, #tpu.memory_space<semaphore_mem>>, %arg9: memref<!tpu.dma_semaphore, #tpu.memory_space<semaphore_mem>>) attributes {dimension_semantics = [#tpu.dimension_semantics<core_parallel>, #tpu.dimension_semantics<subcore_parallel>], iteration_bounds = array<i64: 2, 16>, scalar_prefetch = 0 : i64, scratch_operands = 5 : i64, tpu.core_type = #tpu.core_type<sc_vector_subcore>, window_params = [{transform_indices = #map}, {transform_indices = #map}, {transform_indices = #map1}]} {
    %mul3A = arith.constant 2 : i32
    %mul3A_0 = arith.muli %arg1, %mul3A : i32
    %add3A = arith.addi %mul3A_0, %arg0 : i32
    %mul3A_1 = arith.constant 6400 : i32
    %mul3A_2 = arith.muli %add3A, %mul3A_1 : i32
    "tpu.region"() ({
      %run_scoped3A = tpu.sem_alloc : memref<!tpu.dma_semaphore, #tpu.memory_space<semaphore_mem>>
      %dma_start3A = arith.constant 0 : i32
      %dma_start3A_14 = arith.constant 0 : i32
      %dma_start3A_15 = tpu.memref_slice %arg2[%add3A, %dma_start3A, %dma_start3A_14] : memref<32x20x320xi32, #tpu.memory_space<hbm>> -> memref<1x20x320xi32, #tpu.memory_space<hbm>>
      %dma_start3A_16 = tpu.memref_squeeze %dma_start3A_15 : memref<1x20x320xi32, #tpu.memory_space<hbm>> -> memref<20x320xi32, #tpu.memory_space<hbm>>
      %dma_start3A_17 = arith.constant 0 : i32
      %dma_start3A_18 = arith.constant 0 : i32
      %dma_start3A_19 = tpu.memref_slice %arg2[%add3A, %dma_start3A_17, %dma_start3A_18] : memref<32x20x320xi32, #tpu.memory_space<hbm>> -> memref<1x20x320xi32, #tpu.memory_space<hbm>>
      %dma_start3A_20 = tpu.memref_squeeze %dma_start3A_19 : memref<1x20x320xi32, #tpu.memory_space<hbm>> -> memref<20x320xi32, #tpu.memory_space<hbm>>
      tpu.enqueue_dma source(%dma_start3A_20 : memref<20x320xi32, #tpu.memory_space<hbm>>) target(%arg5 : memref<20x320xi32, #tpu.memory_space<vmem>>) target_semaphore(%run_scoped3A : memref<!tpu.dma_semaphore, #tpu.memory_space<semaphore_mem>>)
      %dma_wait3A = arith.constant 0 : i32
      %dma_wait3A_21 = arith.constant 0 : i32
      %dma_wait3A_22 = tpu.memref_slice %arg2[%add3A, %dma_wait3A, %dma_wait3A_21] : memref<32x20x320xi32, #tpu.memory_space<hbm>> -> memref<1x20x320xi32, #tpu.memory_space<hbm>>
      %dma_wait3A_23 = tpu.memref_squeeze %dma_wait3A_22 : memref<1x20x320xi32, #tpu.memory_space<hbm>> -> memref<20x320xi32, #tpu.memory_space<hbm>>
      %dma_wait3A_24 = arith.constant 0 : i32
      %dma_wait3A_25 = arith.constant 0 : i32
      %dma_wait3A_26 = tpu.memref_slice %arg2[%add3A, %dma_wait3A_24, %dma_wait3A_25] : memref<32x20x320xi32, #tpu.memory_space<hbm>> -> memref<1x20x320xi32, #tpu.memory_space<hbm>>
      %dma_wait3A_27 = tpu.memref_squeeze %dma_wait3A_26 : memref<1x20x320xi32, #tpu.memory_space<hbm>> -> memref<20x320xi32, #tpu.memory_space<hbm>>
      tpu.wait_dma2 semaphore(%run_scoped3A : memref<!tpu.dma_semaphore, #tpu.memory_space<semaphore_mem>>) src(%dma_wait3A_27 : memref<20x320xi32, #tpu.memory_space<hbm>>) dst(%arg5 : memref<20x320xi32, #tpu.memory_space<vmem>>)
      tpu.yield
    }) : () -> ()
    %scan3A = arith.constant 0 : i32
    %scan3A_3 = arith.constant 0 : i32
    %scan3A_4 = arith.constant 20 : i32
    %scan3A_5 = arith.addi %scan3A_3, %scan3A_4 : i32
    %scan3A_6 = arith.constant 1 : i32
    scf.for %scan3A_14 = %scan3A_3 to %scan3A_5 step %scan3A_6  : i32 {
      %mul3A_15 = arith.constant 16 : i32
      %mul3A_16 = arith.muli %scan3A_14, %mul3A_15 : i32
      %get3A = arith.constant 0 : i32
      %get3A_17 = arith.index_cast %get3A : i32 to index
      %get3A_18 = arith.index_cast %mul3A_16 : i32 to index
      %get3A_19 = tpu.vector_load %arg5[%get3A_17, %get3A_18] {strides = array<i32>} : memref<20x320xi32, #tpu.memory_space<vmem>>, vector<1x16xi32>,
      %get3A_20 = vector.shape_cast %get3A_19 : vector<1x16xi32> to vector<16xi32>
      %shift_right_logical3A = arith.constant 3 : i32
      %shift_right_logical3A_21 = vector.broadcast %shift_right_logical3A : i32 to vector<16xi32>
      %shift_right_logical3A_22 = arith.shrui %get3A_20, %shift_right_logical3A_21 : vector<16xi32>
      %and3A = arith.constant 7 : i32
      %and3A_23 = vector.broadcast %and3A : i32 to vector<16xi32>
      %and3A_24 = arith.andi %get3A_20, %and3A_23 : vector<16xi32>
      %slice3A = vector.extract_strided_slice %shift_right_logical3A_22 {offsets = [0], sizes = [1], strides = [1]} : vector<16xi32> to vector<1xi32>
      %squeeze3A = vector.extract %slice3A[0] : i32 from vector<1xi32>
      %slice3A_25 = vector.extract_strided_slice %and3A_24 {offsets = [0], sizes = [1], strides = [1]} : vector<16xi32> to vector<1xi32>
      %squeeze3A_26 = vector.extract %slice3A_25[0] : i32 from vector<1xi32>
      %mul3A_27 = arith.constant 16 : i32
      %mul3A_28 = arith.muli %scan3A_14, %mul3A_27 : i32
      %add3A_29 = arith.constant 0 : i32
      %add3A_30 = arith.addi %mul3A_28, %add3A_29 : i32
      %dma_start3A = arith.constant 0 : i32
      %dma_start3A_31 = tpu.memref_slice %arg6[%add3A_30, %dma_start3A] : memref<320x64xf32, #tpu.memory_space<vmem>> -> memref<1x64xf32, #tpu.memory_space<vmem>>
      %dma_start3A_32 = tpu.memref_reshape %dma_start3A_31 : memref<1x64xf32, #tpu.memory_space<vmem>> -> memref<1x1x64xf32, #tpu.memory_space<vmem>>
      %dma_start3A_33 = arith.constant 0 : i32
      %dma_start3A_34 = tpu.memref_slice %arg3[%squeeze3A, %squeeze3A_26, %dma_start3A_33] : memref<125000x8x64xf32, #tpu.memory_space<hbm>> -> memref<1x1x64xf32, #tpu.memory_space<hbm>>
      %dma_start3A_35 = arith.constant 0 : i32
      %dma_start3A_36 = tpu.memref_slice %arg6[%add3A_30, %dma_start3A_35] : memref<320x64xf32, #tpu.memory_space<vmem>> -> memref<1x64xf32, #tpu.memory_space<vmem>>
      %dma_start3A_37 = tpu.memref_reshape %dma_start3A_36 : memref<1x64xf32, #tpu.memory_space<vmem>> -> memref<1x1x64xf32, #tpu.memory_space<vmem>>
      %dma_start3A_38 = arith.constant 0 : i32
      %dma_start3A_39 = tpu.memref_slice %arg3[%squeeze3A, %squeeze3A_26, %dma_start3A_38] : memref<125000x8x64xf32, #tpu.memory_space<hbm>> -> memref<1x1x64xf32, #tpu.memory_space<hbm>>
      tpu.enqueue_dma source(%dma_start3A_39 : memref<1x1x64xf32, #tpu.memory_space<hbm>>) target(%dma_start3A_37 : memref<1x1x64xf32, #tpu.memory_space<vmem>>) target_semaphore(%arg8 : memref<!tpu.dma_semaphore, #tpu.memory_space<semaphore_mem>>)
      %slice3A_40 = vector.extract_strided_slice %shift_right_logical3A_22 {offsets = [1], sizes = [1], strides = [1]} : vector<16xi32> to vector<1xi32>
      %squeeze3A_41 = vector.extract %slice3A_40[0] : i32 from vector<1xi32>
      %slice3A_42 = vector.extract_strided_slice %and3A_24 {offsets = [1], sizes = [1], strides = [1]} : vector<16xi32> to vector<1xi32>
      %squeeze3A_43 = vector.extract %slice3A_42[0] : i32 from vector<1xi32>
      %mul3A_44 = arith.constant 16 : i32
      %mul3A_45 = arith.muli %scan3A_14, %mul3A_44 : i32
      %add3A_46 = arith.constant 1 : i32
      %add3A_47 = arith.addi %mul3A_45, %add3A_46 : i32
      %dma_start3A_48 = arith.constant 0 : i32
      %dma_start3A_49 = tpu.memref_slice %arg6[%add3A_47, %dma_start3A_48] : memref<320x64xf32, #tpu.memory_space<vmem>> -> memref<1x64xf32, #tpu.memory_space<vmem>>
      %dma_start3A_50 = tpu.memref_reshape %dma_start3A_49 : memref<1x64xf32, #tpu.memory_space<vmem>> -> memref<1x1x64xf32, #tpu.memory_space<vmem>>
      %dma_start3A_51 = arith.constant 0 : i32
      %dma_start3A_52 = tpu.memref_slice %arg3[%squeeze3A_41, %squeeze3A_43, %dma_start3A_51] : memref<125000x8x64xf32, #tpu.memory_space<hbm>> -> memref<1x1x64xf32, #tpu.memory_space<hbm>>
      %dma_start3A_53 = arith.constant 0 : i32
      %dma_start3A_54 = tpu.memref_slice %arg6[%add3A_47, %dma_start3A_53] : memref<320x64xf32, #tpu.memory_space<vmem>> -> memref<1x64xf32, #tpu.memory_space<vmem>>
      %dma_start3A_55 = tpu.memref_reshape %dma_start3A_54 : memref<1x64xf32, #tpu.memory_space<vmem>> -> memref<1x1x64xf32, #tpu.memory_space<vmem>>
      %dma_start3A_56 = arith.constant 0 : i32
      %dma_start3A_57 = tpu.memref_slice %arg3[%squeeze3A_41, %squeeze3A_43, %dma_start3A_56] : memref<125000x8x64xf32, #tpu.memory_space<hbm>> -> memref<1x1x64xf32, #tpu.memory_space<hbm>>
      tpu.enqueue_dma source(%dma_start3A_57 : memref<1x1x64xf32, #tpu.memory_space<hbm>>) target(%dma_start3A_55 : memref<1x1x64xf32, #tpu.memory_space<vmem>>) target_semaphore(%arg8 : memref<!tpu.dma_semaphore, #tpu.memory_space<semaphore_mem>>)
      %slice3A_58 = vector.extract_strided_slice %shift_right_logical3A_22 {offsets = [2], sizes = [1], strides = [1]} : vector<16xi32> to vector<1xi32>
      %squeeze3A_59 = vector.extract %slice3A_58[0] : i32 from vector<1xi32>
      %slice3A_60 = vector.extract_strided_slice %and3A_24 {offsets = [2], sizes = [1], strides = [1]} : vector<16xi32> to vector<1xi32>
      %squeeze3A_61 = vector.extract %slice3A_60[0] : i32 from vector<1xi32>
      %mul3A_62 = arith.constant 16 : i32
      %mul3A_63 = arith.muli %scan3A_14, %mul3A_62 : i32
      %add3A_64 = arith.constant 2 : i32
      %add3A_65 = arith.addi %mul3A_63, %add3A_64 : i32
      %dma_start3A_66 = arith.constant 0 : i32
      %dma_start3A_67 = tpu.memref_slice %arg6[%add3A_65, %dma_start3A_66] : memref<320x64xf32, #tpu.memory_space<vmem>> -> memref<1x64xf32, #tpu.memory_space<vmem>>
      %dma_start3A_68 = tpu.memref_reshape %dma_start3A_67 : memref<1x64xf32, #tpu.memory_space<vmem>> -> memref<1x1x64xf32, #tpu.memory_space<vmem>>
      %dma_start3A_69 = arith.constant 0 : i32
      %dma_start3A_70 = tpu.memref_slice %arg3[%squeeze3A_59, %squeeze3A_61, %dma_start3A_69] : memref<125000x8x64xf32, #tpu.memory_space<hbm>> -> memref<1x1x64xf32, #tpu.memory_space<hbm>>
      %dma_start3A_71 = arith.constant 0 : i32
      %dma_start3A_72 = tpu.memref_slice %arg6[%add3A_65, %dma_start3A_71] : memref<320x64xf32, #tpu.memory_space<vmem>> -> memref<1x64xf32, #tpu.memory_space<vmem>>
      %dma_start3A_73 = tpu.memref_reshape %dma_start3A_72 : memref<1x64xf32, #tpu.memory_space<vmem>> -> memref<1x1x64xf32, #tpu.memory_space<vmem>>
      %dma_start3A_74 = arith.constant 0 : i32
      %dma_start3A_75 = tpu.memref_slice %arg3[%squeeze3A_59, %squeeze3A_61, %dma_start3A_74] : memref<125000x8x64xf32, #tpu.memory_space<hbm>> -> memref<1x1x64xf32, #tpu.memory_space<hbm>>
      tpu.enqueue_dma source(%dma_start3A_75 : memref<1x1x64xf32, #tpu.memory_space<hbm>>) target(%dma_start3A_73 : memref<1x1x64xf32, #tpu.memory_space<vmem>>) target_semaphore(%arg8 : memref<!tpu.dma_semaphore, #tpu.memory_space<semaphore_mem>>)
      %slice3A_76 = vector.extract_strided_slice %shift_right_logical3A_22 {offsets = [3], sizes = [1], strides = [1]} : vector<16xi32> to vector<1xi32>
      %squeeze3A_77 = vector.extract %slice3A_76[0] : i32 from vector<1xi32>
      %slice3A_78 = vector.extract_strided_slice %and3A_24 {offsets = [3], sizes = [1], strides = [1]} : vector<16xi32> to vector<1xi32>
      %squeeze3A_79 = vector.extract %slice3A_78[0] : i32 from vector<1xi32>
      %mul3A_80 = arith.constant 16 : i32
      %mul3A_81 = arith.muli %scan3A_14, %mul3A_80 : i32
      %add3A_82 = arith.constant 3 : i32
      %add3A_83 = arith.addi %mul3A_81, %add3A_82 : i32
      %dma_start3A_84 = arith.constant 0 : i32
      %dma_start3A_85 = tpu.memref_slice %arg6[%add3A_83, %dma_start3A_84] : memref<320x64xf32, #tpu.memory_space<vmem>> -> memref<1x64xf32, #tpu.memory_space<vmem>>
      %dma_start3A_86 = tpu.memref_reshape %dma_start3A_85 : memref<1x64xf32, #tpu.memory_space<vmem>> -> memref<1x1x64xf32, #tpu.memory_space<vmem>>
      %dma_start3A_87 = arith.constant 0 : i32
      %dma_start3A_88 = tpu.memref_slice %arg3[%squeeze3A_77, %squeeze3A_79, %dma_start3A_87] : memref<125000x8x64xf32, #tpu.memory_space<hbm>> -> memref<1x1x64xf32, #tpu.memory_space<hbm>>
      %dma_start3A_89 = arith.constant 0 : i32
      %dma_start3A_90 = tpu.memref_slice %arg6[%add3A_83, %dma_start3A_89] : memref<320x64xf32, #tpu.memory_space<vmem>> -> memref<1x64xf32, #tpu.memory_space<vmem>>
      %dma_start3A_91 = tpu.memref_reshape %dma_start3A_90 : memref<1x64xf32, #tpu.memory_space<vmem>> -> memref<1x1x64xf32, #tpu.memory_space<vmem>>
      %dma_start3A_92 = arith.constant 0 : i32
      %dma_start3A_93 = tpu.memref_slice %arg3[%squeeze3A_77, %squeeze3A_79, %dma_start3A_92] : memref<125000x8x64xf32, #tpu.memory_space<hbm>> -> memref<1x1x64xf32, #tpu.memory_space<hbm>>
      tpu.enqueue_dma source(%dma_start3A_93 : memref<1x1x64xf32, #tpu.memory_space<hbm>>) target(%dma_start3A_91 : memref<1x1x64xf32, #tpu.memory_space<vmem>>) target_semaphore(%arg8 : memref<!tpu.dma_semaphore, #tpu.memory_space<semaphore_mem>>)
      %slice3A_94 = vector.extract_strided_slice %shift_right_logical3A_22 {offsets = [4], sizes = [1], strides = [1]} : vector<16xi32> to vector<1xi32>
      %squeeze3A_95 = vector.extract %slice3A_94[0] : i32 from vector<1xi32>
      %slice3A_96 = vector.extract_strided_slice %and3A_24 {offsets = [4], sizes = [1], strides = [1]} : vector<16xi32> to vector<1xi32>
      %squeeze3A_97 = vector.extract %slice3A_96[0] : i32 from vector<1xi32>
      %mul3A_98 = arith.constant 16 : i32
      %mul3A_99 = arith.muli %scan3A_14, %mul3A_98 : i32
      %add3A_100 = arith.constant 4 : i32
      %add3A_101 = arith.addi %mul3A_99, %add3A_100 : i32
      %dma_start3A_102 = arith.constant 0 : i32
      %dma_start3A_103 = tpu.memref_slice %arg6[%add3A_101, %dma_start3A_102] : memref<320x64xf32, #tpu.memory_space<vmem>> -> memref<1x64xf32, #tpu.memory_space<vmem>>
      %dma_start3A_104 = tpu.memref_reshape %dma_start3A_103 : memref<1x64xf32, #tpu.memory_space<vmem>> -> memref<1x1x64xf32, #tpu.memory_space<vmem>>
      %dma_start3A_105 = arith.constant 0 : i32
      %dma_start3A_106 = tpu.memref_slice %arg3[%squeeze3A_95, %squeeze3A_97, %dma_start3A_105] : memref<125000x8x64xf32, #tpu.memory_space<hbm>> -> memref<1x1x64xf32, #tpu.memory_space<hbm>>
      %dma_start3A_107 = arith.constant 0 : i32
      %dma_start3A_108 = tpu.memref_slice %arg6[%add3A_101, %dma_start3A_107] : memref<320x64xf32, #tpu.memory_space<vmem>> -> memref<1x64xf32, #tpu.memory_space<vmem>>
      %dma_start3A_109 = tpu.memref_reshape %dma_start3A_108 : memref<1x64xf32, #tpu.memory_space<vmem>> -> memref<1x1x64xf32, #tpu.memory_space<vmem>>
      %dma_start3A_110 = arith.constant 0 : i32
      %dma_start3A_111 = tpu.memref_slice %arg3[%squeeze3A_95, %squeeze3A_97, %dma_start3A_110] : memref<125000x8x64xf32, #tpu.memory_space<hbm>> -> memref<1x1x64xf32, #tpu.memory_space<hbm>>
      tpu.enqueue_dma source(%dma_start3A_111 : memref<1x1x64xf32, #tpu.memory_space<hbm>>) target(%dma_start3A_109 : memref<1x1x64xf32, #tpu.memory_space<vmem>>) target_semaphore(%arg8 : memref<!tpu.dma_semaphore, #tpu.memory_space<semaphore_mem>>)
      %slice3A_112 = vector.extract_strided_slice %shift_right_logical3A_22 {offsets = [5], sizes = [1], strides = [1]} : vector<16xi32> to vector<1xi32>
      %squeeze3A_113 = vector.extract %slice3A_112[0] : i32 from vector<1xi32>
      %slice3A_114 = vector.extract_strided_slice %and3A_24 {offsets = [5], sizes = [1], strides = [1]} : vector<16xi32> to vector<1xi32>
      %squeeze3A_115 = vector.extract %slice3A_114[0] : i32 from vector<1xi32>
      %mul3A_116 = arith.constant 16 : i32
      %mul3A_117 = arith.muli %scan3A_14, %mul3A_116 : i32
      %add3A_118 = arith.constant 5 : i32
      %add3A_119 = arith.addi %mul3A_117, %add3A_118 : i32
      %dma_start3A_120 = arith.constant 0 : i32
      %dma_start3A_121 = tpu.memref_slice %arg6[%add3A_119, %dma_start3A_120] : memref<320x64xf32, #tpu.memory_space<vmem>> -> memref<1x64xf32, #tpu.memory_space<vmem>>
      %dma_start3A_122 = tpu.memref_reshape %dma_start3A_121 : memref<1x64xf32, #tpu.memory_space<vmem>> -> memref<1x1x64xf32, #tpu.memory_space<vmem>>
      %dma_start3A_123 = arith.constant 0 : i32
      %dma_start3A_124 = tpu.memref_slice %arg3[%squeeze3A_113, %squeeze3A_115, %dma_start3A_123] : memref<125000x8x64xf32, #tpu.memory_space<hbm>> -> memref<1x1x64xf32, #tpu.memory_space<hbm>>
      %dma_start3A_125 = arith.constant 0 : i32
      %dma_start3A_126 = tpu.memref_slice %arg6[%add3A_119, %dma_start3A_125] : memref<320x64xf32, #tpu.memory_space<vmem>> -> memref<1x64xf32, #tpu.memory_space<vmem>>
      %dma_start3A_127 = tpu.memref_reshape %dma_start3A_126 : memref<1x64xf32, #tpu.memory_space<vmem>> -> memref<1x1x64xf32, #tpu.memory_space<vmem>>
      %dma_start3A_128 = arith.constant 0 : i32
      %dma_start3A_129 = tpu.memref_slice %arg3[%squeeze3A_113, %squeeze3A_115, %dma_start3A_128] : memref<125000x8x64xf32, #tpu.memory_space<hbm>> -> memref<1x1x64xf32, #tpu.memory_space<hbm>>
      tpu.enqueue_dma source(%dma_start3A_129 : memref<1x1x64xf32, #tpu.memory_space<hbm>>) target(%dma_start3A_127 : memref<1x1x64xf32, #tpu.memory_space<vmem>>) target_semaphore(%arg8 : memref<!tpu.dma_semaphore, #tpu.memory_space<semaphore_mem>>)
      %slice3A_130 = vector.extract_strided_slice %shift_right_logical3A_22 {offsets = [6], sizes = [1], strides = [1]} : vector<16xi32> to vector<1xi32>
      %squeeze3A_131 = vector.extract %slice3A_130[0] : i32 from vector<1xi32>
      %slice3A_132 = vector.extract_strided_slice %and3A_24 {offsets = [6], sizes = [1], strides = [1]} : vector<16xi32> to vector<1xi32>
      %squeeze3A_133 = vector.extract %slice3A_132[0] : i32 from vector<1xi32>
      %mul3A_134 = arith.constant 16 : i32
      %mul3A_135 = arith.muli %scan3A_14, %mul3A_134 : i32
      %add3A_136 = arith.constant 6 : i32
      %add3A_137 = arith.addi %mul3A_135, %add3A_136 : i32
      %dma_start3A_138 = arith.constant 0 : i32
      %dma_start3A_139 = tpu.memref_slice %arg6[%add3A_137, %dma_start3A_138] : memref<320x64xf32, #tpu.memory_space<vmem>> -> memref<1x64xf32, #tpu.memory_space<vmem>>
      %dma_start3A_140 = tpu.memref_reshape %dma_start3A_139 : memref<1x64xf32, #tpu.memory_space<vmem>> -> memref<1x1x64xf32, #tpu.memory_space<vmem>>
      %dma_start3A_141 = arith.constant 0 : i32
      %dma_start3A_142 = tpu.memref_slice %arg3[%squeeze3A_131, %squeeze3A_133, %dma_start3A_141] : memref<125000x8x64xf32, #tpu.memory_space<hbm>> -> memref<1x1x64xf32, #tpu.memory_space<hbm>>
      %dma_start3A_143 = arith.constant 0 : i32
      %dma_start3A_144 = tpu.memref_slice %arg6[%add3A_137, %dma_start3A_143] : memref<320x64xf32, #tpu.memory_space<vmem>> -> memref<1x64xf32, #tpu.memory_space<vmem>>
      %dma_start3A_145 = tpu.memref_reshape %dma_start3A_144 : memref<1x64xf32, #tpu.memory_space<vmem>> -> memref<1x1x64xf32, #tpu.memory_space<vmem>>
      %dma_start3A_146 = arith.constant 0 : i32
      %dma_start3A_147 = tpu.memref_slice %arg3[%squeeze3A_131, %squeeze3A_133, %dma_start3A_146] : memref<125000x8x64xf32, #tpu.memory_space<hbm>> -> memref<1x1x64xf32, #tpu.memory_space<hbm>>
      tpu.enqueue_dma source(%dma_start3A_147 : memref<1x1x64xf32, #tpu.memory_space<hbm>>) target(%dma_start3A_145 : memref<1x1x64xf32, #tpu.memory_space<vmem>>) target_semaphore(%arg8 : memref<!tpu.dma_semaphore, #tpu.memory_space<semaphore_mem>>)
      %slice3A_148 = vector.extract_strided_slice %shift_right_logical3A_22 {offsets = [7], sizes = [1], strides = [1]} : vector<16xi32> to vector<1xi32>
      %squeeze3A_149 = vector.extract %slice3A_148[0] : i32 from vector<1xi32>
      %slice3A_150 = vector.extract_strided_slice %and3A_24 {offsets = [7], sizes = [1], strides = [1]} : vector<16xi32> to vector<1xi32>
      %squeeze3A_151 = vector.extract %slice3A_150[0] : i32 from vector<1xi32>
      %mul3A_152 = arith.constant 16 : i32
      %mul3A_153 = arith.muli %scan3A_14, %mul3A_152 : i32
      %add3A_154 = arith.constant 7 : i32
      %add3A_155 = arith.addi %mul3A_153, %add3A_154 : i32
      %dma_start3A_156 = arith.constant 0 : i32
      %dma_start3A_157 = tpu.memref_slice %arg6[%add3A_155, %dma_start3A_156] : memref<320x64xf32, #tpu.memory_space<vmem>> -> memref<1x64xf32, #tpu.memory_space<vmem>>
      %dma_start3A_158 = tpu.memref_reshape %dma_start3A_157 : memref<1x64xf32, #tpu.memory_space<vmem>> -> memref<1x1x64xf32, #tpu.memory_space<vmem>>
      %dma_start3A_159 = arith.constant 0 : i32
      %dma_start3A_160 = tpu.memref_slice %arg3[%squeeze3A_149, %squeeze3A_151, %dma_start3A_159] : memref<125000x8x64xf32, #tpu.memory_space<hbm>> -> memref<1x1x64xf32, #tpu.memory_space<hbm>>
      %dma_start3A_161 = arith.constant 0 : i32
      %dma_start3A_162 = tpu.memref_slice %arg6[%add3A_155, %dma_start3A_161] : memref<320x64xf32, #tpu.memory_space<vmem>> -> memref<1x64xf32, #tpu.memory_space<vmem>>
      %dma_start3A_163 = tpu.memref_reshape %dma_start3A_162 : memref<1x64xf32, #tpu.memory_space<vmem>> -> memref<1x1x64xf32, #tpu.memory_space<vmem>>
      %dma_start3A_164 = arith.constant 0 : i32
      %dma_start3A_165 = tpu.memref_slice %arg3[%squeeze3A_149, %squeeze3A_151, %dma_start3A_164] : memref<125000x8x64xf32, #tpu.memory_space<hbm>> -> memref<1x1x64xf32, #tpu.memory_space<hbm>>
      tpu.enqueue_dma source(%dma_start3A_165 : memref<1x1x64xf32, #tpu.memory_space<hbm>>) target(%dma_start3A_163 : memref<1x1x64xf32, #tpu.memory_space<vmem>>) target_semaphore(%arg8 : memref<!tpu.dma_semaphore, #tpu.memory_space<semaphore_mem>>)
      %slice3A_166 = vector.extract_strided_slice %shift_right_logical3A_22 {offsets = [8], sizes = [1], strides = [1]} : vector<16xi32> to vector<1xi32>
      %squeeze3A_167 = vector.extract %slice3A_166[0] : i32 from vector<1xi32>
      %slice3A_168 = vector.extract_strided_slice %and3A_24 {offsets = [8], sizes = [1], strides = [1]} : vector<16xi32> to vector<1xi32>
      %squeeze3A_169 = vector.extract %slice3A_168[0] : i32 from vector<1xi32>
      %mul3A_170 = arith.constant 16 : i32
      %mul3A_171 = arith.muli %scan3A_14, %mul3A_170 : i32
      %add3A_172 = arith.constant 8 : i32
      %add3A_173 = arith.addi %mul3A_171, %add3A_172 : i32
      %dma_start3A_174 = arith.constant 0 : i32
      %dma_start3A_175 = tpu.memref_slice %arg6[%add3A_173, %dma_start3A_174] : memref<320x64xf32, #tpu.memory_space<vmem>> -> memref<1x64xf32, #tpu.memory_space<vmem>>
      %dma_start3A_176 = tpu.memref_reshape %dma_start3A_175 : memref<1x64xf32, #tpu.memory_space<vmem>> -> memref<1x1x64xf32, #tpu.memory_space<vmem>>
      %dma_start3A_177 = arith.constant 0 : i32
      %dma_start3A_178 = tpu.memref_slice %arg3[%squeeze3A_167, %squeeze3A_169, %dma_start3A_177] : memref<125000x8x64xf32, #tpu.memory_space<hbm>> -> memref<1x1x64xf32, #tpu.memory_space<hbm>>
      %dma_start3A_179 = arith.constant 0 : i32
      %dma_start3A_180 = tpu.memref_slice %arg6[%add3A_173, %dma_start3A_179] : memref<320x64xf32, #tpu.memory_space<vmem>> -> memref<1x64xf32, #tpu.memory_space<vmem>>
      %dma_start3A_181 = tpu.memref_reshape %dma_start3A_180 : memref<1x64xf32, #tpu.memory_space<vmem>> -> memref<1x1x64xf32, #tpu.memory_space<vmem>>
      %dma_start3A_182 = arith.constant 0 : i32
      %dma_start3A_183 = tpu.memref_slice %arg3[%squeeze3A_167, %squeeze3A_169, %dma_start3A_182] : memref<125000x8x64xf32, #tpu.memory_space<hbm>> -> memref<1x1x64xf32, #tpu.memory_space<hbm>>
      tpu.enqueue_dma source(%dma_start3A_183 : memref<1x1x64xf32, #tpu.memory_space<hbm>>) target(%dma_start3A_181 : memref<1x1x64xf32, #tpu.memory_space<vmem>>) target_semaphore(%arg8 : memref<!tpu.dma_semaphore, #tpu.memory_space<semaphore_mem>>)
      %slice3A_184 = vector.extract_strided_slice %shift_right_logical3A_22 {offsets = [9], sizes = [1], strides = [1]} : vector<16xi32> to vector<1xi32>
      %squeeze3A_185 = vector.extract %slice3A_184[0] : i32 from vector<1xi32>
      %slice3A_186 = vector.extract_strided_slice %and3A_24 {offsets = [9], sizes = [1], strides = [1]} : vector<16xi32> to vector<1xi32>
      %squeeze3A_187 = vector.extract %slice3A_186[0] : i32 from vector<1xi32>
      %mul3A_188 = arith.constant 16 : i32
      %mul3A_189 = arith.muli %scan3A_14, %mul3A_188 : i32
      %add3A_190 = arith.constant 9 : i32
      %add3A_191 = arith.addi %mul3A_189, %add3A_190 : i32
      %dma_start3A_192 = arith.constant 0 : i32
      %dma_start3A_193 = tpu.memref_slice %arg6[%add3A_191, %dma_start3A_192] : memref<320x64xf32, #tpu.memory_space<vmem>> -> memref<1x64xf32, #tpu.memory_space<vmem>>
      %dma_start3A_194 = tpu.memref_reshape %dma_start3A_193 : memref<1x64xf32, #tpu.memory_space<vmem>> -> memref<1x1x64xf32, #tpu.memory_space<vmem>>
      %dma_start3A_195 = arith.constant 0 : i32
      %dma_start3A_196 = tpu.memref_slice %arg3[%squeeze3A_185, %squeeze3A_187, %dma_start3A_195] : memref<125000x8x64xf32, #tpu.memory_space<hbm>> -> memref<1x1x64xf32, #tpu.memory_space<hbm>>
      %dma_start3A_197 = arith.constant 0 : i32
      %dma_start3A_198 = tpu.memref_slice %arg6[%add3A_191, %dma_start3A_197] : memref<320x64xf32, #tpu.memory_space<vmem>> -> memref<1x64xf32, #tpu.memory_space<vmem>>
      %dma_start3A_199 = tpu.memref_reshape %dma_start3A_198 : memref<1x64xf32, #tpu.memory_space<vmem>> -> memref<1x1x64xf32, #tpu.memory_space<vmem>>
      %dma_start3A_200 = arith.constant 0 : i32
      %dma_start3A_201 = tpu.memref_slice %arg3[%squeeze3A_185, %squeeze3A_187, %dma_start3A_200] : memref<125000x8x64xf32, #tpu.memory_space<hbm>> -> memref<1x1x64xf32, #tpu.memory_space<hbm>>
      tpu.enqueue_dma source(%dma_start3A_201 : memref<1x1x64xf32, #tpu.memory_space<hbm>>) target(%dma_start3A_199 : memref<1x1x64xf32, #tpu.memory_space<vmem>>) target_semaphore(%arg8 : memref<!tpu.dma_semaphore, #tpu.memory_space<semaphore_mem>>)
      %slice3A_202 = vector.extract_strided_slice %shift_right_logical3A_22 {offsets = [10], sizes = [1], strides = [1]} : vector<16xi32> to vector<1xi32>
      %squeeze3A_203 = vector.extract %slice3A_202[0] : i32 from vector<1xi32>
      %slice3A_204 = vector.extract_strided_slice %and3A_24 {offsets = [10], sizes = [1], strides = [1]} : vector<16xi32> to vector<1xi32>
      %squeeze3A_205 = vector.extract %slice3A_204[0] : i32 from vector<1xi32>
      %mul3A_206 = arith.constant 16 : i32
      %mul3A_207 = arith.muli %scan3A_14, %mul3A_206 : i32
      %add3A_208 = arith.constant 10 : i32
      %add3A_209 = arith.addi %mul3A_207, %add3A_208 : i32
      %dma_start3A_210 = arith.constant 0 : i32
      %dma_start3A_211 = tpu.memref_slice %arg6[%add3A_209, %dma_start3A_210] : memref<320x64xf32, #tpu.memory_space<vmem>> -> memref<1x64xf32, #tpu.memory_space<vmem>>
      %dma_start3A_212 = tpu.memref_reshape %dma_start3A_211 : memref<1x64xf32, #tpu.memory_space<vmem>> -> memref<1x1x64xf32, #tpu.memory_space<vmem>>
      %dma_start3A_213 = arith.constant 0 : i32
      %dma_start3A_214 = tpu.memref_slice %arg3[%squeeze3A_203, %squeeze3A_205, %dma_start3A_213] : memref<125000x8x64xf32, #tpu.memory_space<hbm>> -> memref<1x1x64xf32, #tpu.memory_space<hbm>>
      %dma_start3A_215 = arith.constant 0 : i32
      %dma_start3A_216 = tpu.memref_slice %arg6[%add3A_209, %dma_start3A_215] : memref<320x64xf32, #tpu.memory_space<vmem>> -> memref<1x64xf32, #tpu.memory_space<vmem>>
      %dma_start3A_217 = tpu.memref_reshape %dma_start3A_216 : memref<1x64xf32, #tpu.memory_space<vmem>> -> memref<1x1x64xf32, #tpu.memory_space<vmem>>
      %dma_start3A_218 = arith.constant 0 : i32
      %dma_start3A_219 = tpu.memref_slice %arg3[%squeeze3A_203, %squeeze3A_205, %dma_start3A_218] : memref<125000x8x64xf32, #tpu.memory_space<hbm>> -> memref<1x1x64xf32, #tpu.memory_space<hbm>>
      tpu.enqueue_dma source(%dma_start3A_219 : memref<1x1x64xf32, #tpu.memory_space<hbm>>) target(%dma_start3A_217 : memref<1x1x64xf32, #tpu.memory_space<vmem>>) target_semaphore(%arg8 : memref<!tpu.dma_semaphore, #tpu.memory_space<semaphore_mem>>)
      %slice3A_220 = vector.extract_strided_slice %shift_right_logical3A_22 {offsets = [11], sizes = [1], strides = [1]} : vector<16xi32> to vector<1xi32>
      %squeeze3A_221 = vector.extract %slice3A_220[0] : i32 from vector<1xi32>
      %slice3A_222 = vector.extract_strided_slice %and3A_24 {offsets = [11], sizes = [1], strides = [1]} : vector<16xi32> to vector<1xi32>
      %squeeze3A_223 = vector.extract %slice3A_222[0] : i32 from vector<1xi32>
      %mul3A_224 = arith.constant 16 : i32
      %mul3A_225 = arith.muli %scan3A_14, %mul3A_224 : i32
      %add3A_226 = arith.constant 11 : i32
      %add3A_227 = arith.addi %mul3A_225, %add3A_226 : i32
      %dma_start3A_228 = arith.constant 0 : i32
      %dma_start3A_229 = tpu.memref_slice %arg6[%add3A_227, %dma_start3A_228] : memref<320x64xf32, #tpu.memory_space<vmem>> -> memref<1x64xf32, #tpu.memory_space<vmem>>
      %dma_start3A_230 = tpu.memref_reshape %dma_start3A_229 : memref<1x64xf32, #tpu.memory_space<vmem>> -> memref<1x1x64xf32, #tpu.memory_space<vmem>>
      %dma_start3A_231 = arith.constant 0 : i32
      %dma_start3A_232 = tpu.memref_slice %arg3[%squeeze3A_221, %squeeze3A_223, %dma_start3A_231] : memref<125000x8x64xf32, #tpu.memory_space<hbm>> -> memref<1x1x64xf32, #tpu.memory_space<hbm>>
      %dma_start3A_233 = arith.constant 0 : i32
      %dma_start3A_234 = tpu.memref_slice %arg6[%add3A_227, %dma_start3A_233] : memref<320x64xf32, #tpu.memory_space<vmem>> -> memref<1x64xf32, #tpu.memory_space<vmem>>
      %dma_start3A_235 = tpu.memref_reshape %dma_start3A_234 : memref<1x64xf32, #tpu.memory_space<vmem>> -> memref<1x1x64xf32, #tpu.memory_space<vmem>>
      %dma_start3A_236 = arith.constant 0 : i32
      %dma_start3A_237 = tpu.memref_slice %arg3[%squeeze3A_221, %squeeze3A_223, %dma_start3A_236] : memref<125000x8x64xf32, #tpu.memory_space<hbm>> -> memref<1x1x64xf32, #tpu.memory_space<hbm>>
      tpu.enqueue_dma source(%dma_start3A_237 : memref<1x1x64xf32, #tpu.memory_space<hbm>>) target(%dma_start3A_235 : memref<1x1x64xf32, #tpu.memory_space<vmem>>) target_semaphore(%arg8 : memref<!tpu.dma_semaphore, #tpu.memory_space<semaphore_mem>>)
      %slice3A_238 = vector.extract_strided_slice %shift_right_logical3A_22 {offsets = [12], sizes = [1], strides = [1]} : vector<16xi32> to vector<1xi32>
      %squeeze3A_239 = vector.extract %slice3A_238[0] : i32 from vector<1xi32>
      %slice3A_240 = vector.extract_strided_slice %and3A_24 {offsets = [12], sizes = [1], strides = [1]} : vector<16xi32> to vector<1xi32>
      %squeeze3A_241 = vector.extract %slice3A_240[0] : i32 from vector<1xi32>
      %mul3A_242 = arith.constant 16 : i32
      %mul3A_243 = arith.muli %scan3A_14, %mul3A_242 : i32
      %add3A_244 = arith.constant 12 : i32
      %add3A_245 = arith.addi %mul3A_243, %add3A_244 : i32
      %dma_start3A_246 = arith.constant 0 : i32
      %dma_start3A_247 = tpu.memref_slice %arg6[%add3A_245, %dma_start3A_246] : memref<320x64xf32, #tpu.memory_space<vmem>> -> memref<1x64xf32, #tpu.memory_space<vmem>>
      %dma_start3A_248 = tpu.memref_reshape %dma_start3A_247 : memref<1x64xf32, #tpu.memory_space<vmem>> -> memref<1x1x64xf32, #tpu.memory_space<vmem>>
      %dma_start3A_249 = arith.constant 0 : i32
      %dma_start3A_250 = tpu.memref_slice %arg3[%squeeze3A_239, %squeeze3A_241, %dma_start3A_249] : memref<125000x8x64xf32, #tpu.memory_space<hbm>> -> memref<1x1x64xf32, #tpu.memory_space<hbm>>
      %dma_start3A_251 = arith.constant 0 : i32
      %dma_start3A_252 = tpu.memref_slice %arg6[%add3A_245, %dma_start3A_251] : memref<320x64xf32, #tpu.memory_space<vmem>> -> memref<1x64xf32, #tpu.memory_space<vmem>>
      %dma_start3A_253 = tpu.memref_reshape %dma_start3A_252 : memref<1x64xf32, #tpu.memory_space<vmem>> -> memref<1x1x64xf32, #tpu.memory_space<vmem>>
      %dma_start3A_254 = arith.constant 0 : i32
      %dma_start3A_255 = tpu.memref_slice %arg3[%squeeze3A_239, %squeeze3A_241, %dma_start3A_254] : memref<125000x8x64xf32, #tpu.memory_space<hbm>> -> memref<1x1x64xf32, #tpu.memory_space<hbm>>
      tpu.enqueue_dma source(%dma_start3A_255 : memref<1x1x64xf32, #tpu.memory_space<hbm>>) target(%dma_start3A_253 : memref<1x1x64xf32, #tpu.memory_space<vmem>>) target_semaphore(%arg8 : memref<!tpu.dma_semaphore, #tpu.memory_space<semaphore_mem>>)
      %slice3A_256 = vector.extract_strided_slice %shift_right_logical3A_22 {offsets = [13], sizes = [1], strides = [1]} : vector<16xi32> to vector<1xi32>
      %squeeze3A_257 = vector.extract %slice3A_256[0] : i32 from vector<1xi32>
      %slice3A_258 = vector.extract_strided_slice %and3A_24 {offsets = [13], sizes = [1], strides = [1]} : vector<16xi32> to vector<1xi32>
      %squeeze3A_259 = vector.extract %slice3A_258[0] : i32 from vector<1xi32>
      %mul3A_260 = arith.constant 16 : i32
      %mul3A_261 = arith.muli %scan3A_14, %mul3A_260 : i32
      %add3A_262 = arith.constant 13 : i32
      %add3A_263 = arith.addi %mul3A_261, %add3A_262 : i32
      %dma_start3A_264 = arith.constant 0 : i32
      %dma_start3A_265 = tpu.memref_slice %arg6[%add3A_263, %dma_start3A_264] : memref<320x64xf32, #tpu.memory_space<vmem>> -> memref<1x64xf32, #tpu.memory_space<vmem>>
      %dma_start3A_266 = tpu.memref_reshape %dma_start3A_265 : memref<1x64xf32, #tpu.memory_space<vmem>> -> memref<1x1x64xf32, #tpu.memory_space<vmem>>
      %dma_start3A_267 = arith.constant 0 : i32
      %dma_start3A_268 = tpu.memref_slice %arg3[%squeeze3A_257, %squeeze3A_259, %dma_start3A_267] : memref<125000x8x64xf32, #tpu.memory_space<hbm>> -> memref<1x1x64xf32, #tpu.memory_space<hbm>>
      %dma_start3A_269 = arith.constant 0 : i32
      %dma_start3A_270 = tpu.memref_slice %arg6[%add3A_263, %dma_start3A_269] : memref<320x64xf32, #tpu.memory_space<vmem>> -> memref<1x64xf32, #tpu.memory_space<vmem>>
      %dma_start3A_271 = tpu.memref_reshape %dma_start3A_270 : memref<1x64xf32, #tpu.memory_space<vmem>> -> memref<1x1x64xf32, #tpu.memory_space<vmem>>
      %dma_start3A_272 = arith.constant 0 : i32
      %dma_start3A_273 = tpu.memref_slice %arg3[%squeeze3A_257, %squeeze3A_259, %dma_start3A_272] : memref<125000x8x64xf32, #tpu.memory_space<hbm>> -> memref<1x1x64xf32, #tpu.memory_space<hbm>>
      tpu.enqueue_dma source(%dma_start3A_273 : memref<1x1x64xf32, #tpu.memory_space<hbm>>) target(%dma_start3A_271 : memref<1x1x64xf32, #tpu.memory_space<vmem>>) target_semaphore(%arg8 : memref<!tpu.dma_semaphore, #tpu.memory_space<semaphore_mem>>)
      %slice3A_274 = vector.extract_strided_slice %shift_right_logical3A_22 {offsets = [14], sizes = [1], strides = [1]} : vector<16xi32> to vector<1xi32>
      %squeeze3A_275 = vector.extract %slice3A_274[0] : i32 from vector<1xi32>
      %slice3A_276 = vector.extract_strided_slice %and3A_24 {offsets = [14], sizes = [1], strides = [1]} : vector<16xi32> to vector<1xi32>
      %squeeze3A_277 = vector.extract %slice3A_276[0] : i32 from vector<1xi32>
      %mul3A_278 = arith.constant 16 : i32
      %mul3A_279 = arith.muli %scan3A_14, %mul3A_278 : i32
      %add3A_280 = arith.constant 14 : i32
      %add3A_281 = arith.addi %mul3A_279, %add3A_280 : i32
      %dma_start3A_282 = arith.constant 0 : i32
      %dma_start3A_283 = tpu.memref_slice %arg6[%add3A_281, %dma_start3A_282] : memref<320x64xf32, #tpu.memory_space<vmem>> -> memref<1x64xf32, #tpu.memory_space<vmem>>
      %dma_start3A_284 = tpu.memref_reshape %dma_start3A_283 : memref<1x64xf32, #tpu.memory_space<vmem>> -> memref<1x1x64xf32, #tpu.memory_space<vmem>>
      %dma_start3A_285 = arith.constant 0 : i32
      %dma_start3A_286 = tpu.memref_slice %arg3[%squeeze3A_275, %squeeze3A_277, %dma_start3A_285] : memref<125000x8x64xf32, #tpu.memory_space<hbm>> -> memref<1x1x64xf32, #tpu.memory_space<hbm>>
      %dma_start3A_287 = arith.constant 0 : i32
      %dma_start3A_288 = tpu.memref_slice %arg6[%add3A_281, %dma_start3A_287] : memref<320x64xf32, #tpu.memory_space<vmem>> -> memref<1x64xf32, #tpu.memory_space<vmem>>
      %dma_start3A_289 = tpu.memref_reshape %dma_start3A_288 : memref<1x64xf32, #tpu.memory_space<vmem>> -> memref<1x1x64xf32, #tpu.memory_space<vmem>>
      %dma_start3A_290 = arith.constant 0 : i32
      %dma_start3A_291 = tpu.memref_slice %arg3[%squeeze3A_275, %squeeze3A_277, %dma_start3A_290] : memref<125000x8x64xf32, #tpu.memory_space<hbm>> -> memref<1x1x64xf32, #tpu.memory_space<hbm>>
      tpu.enqueue_dma source(%dma_start3A_291 : memref<1x1x64xf32, #tpu.memory_space<hbm>>) target(%dma_start3A_289 : memref<1x1x64xf32, #tpu.memory_space<vmem>>) target_semaphore(%arg8 : memref<!tpu.dma_semaphore, #tpu.memory_space<semaphore_mem>>)
      %slice3A_292 = vector.extract_strided_slice %shift_right_logical3A_22 {offsets = [15], sizes = [1], strides = [1]} : vector<16xi32> to vector<1xi32>
      %squeeze3A_293 = vector.extract %slice3A_292[0] : i32 from vector<1xi32>
      %slice3A_294 = vector.extract_strided_slice %and3A_24 {offsets = [15], sizes = [1], strides = [1]} : vector<16xi32> to vector<1xi32>
      %squeeze3A_295 = vector.extract %slice3A_294[0] : i32 from vector<1xi32>
      %mul3A_296 = arith.constant 16 : i32
      %mul3A_297 = arith.muli %scan3A_14, %mul3A_296 : i32
      %add3A_298 = arith.constant 15 : i32
      %add3A_299 = arith.addi %mul3A_297, %add3A_298 : i32
      %dma_start3A_300 = arith.constant 0 : i32
      %dma_start3A_301 = tpu.memref_slice %arg6[%add3A_299, %dma_start3A_300] : memref<320x64xf32, #tpu.memory_space<vmem>> -> memref<1x64xf32, #tpu.memory_space<vmem>>
      %dma_start3A_302 = tpu.memref_reshape %dma_start3A_301 : memref<1x64xf32, #tpu.memory_space<vmem>> -> memref<1x1x64xf32, #tpu.memory_space<vmem>>
      %dma_start3A_303 = arith.constant 0 : i32
      %dma_start3A_304 = tpu.memref_slice %arg3[%squeeze3A_293, %squeeze3A_295, %dma_start3A_303] : memref<125000x8x64xf32, #tpu.memory_space<hbm>> -> memref<1x1x64xf32, #tpu.memory_space<hbm>>
      %dma_start3A_305 = arith.constant 0 : i32
      %dma_start3A_306 = tpu.memref_slice %arg6[%add3A_299, %dma_start3A_305] : memref<320x64xf32, #tpu.memory_space<vmem>> -> memref<1x64xf32, #tpu.memory_space<vmem>>
      %dma_start3A_307 = tpu.memref_reshape %dma_start3A_306 : memref<1x64xf32, #tpu.memory_space<vmem>> -> memref<1x1x64xf32, #tpu.memory_space<vmem>>
      %dma_start3A_308 = arith.constant 0 : i32
      %dma_start3A_309 = tpu.memref_slice %arg3[%squeeze3A_293, %squeeze3A_295, %dma_start3A_308] : memref<125000x8x64xf32, #tpu.memory_space<hbm>> -> memref<1x1x64xf32, #tpu.memory_space<hbm>>
      tpu.enqueue_dma source(%dma_start3A_309 : memref<1x1x64xf32, #tpu.memory_space<hbm>>) target(%dma_start3A_307 : memref<1x1x64xf32, #tpu.memory_space<vmem>>) target_semaphore(%arg8 : memref<!tpu.dma_semaphore, #tpu.memory_space<semaphore_mem>>)
    }
    %scan3A_7 = arith.constant 20 : i32
    %scan3A_8 = arith.constant 0 : i32
    %scan3A_9 = arith.constant 0 : i32
    %scan3A_10 = arith.constant 10 : i32
    %scan3A_11 = arith.addi %scan3A_9, %scan3A_10 : i32
    %scan3A_12 = arith.constant 1 : i32
    scf.for %scan3A_14 = %scan3A_9 to %scan3A_11 step %scan3A_12  : i32 {
      %mul3A_15 = arith.constant 2 : i32
      %mul3A_16 = arith.muli %mul3A_15, %scan3A_14 : i32
      %add3A_17 = arith.constant 1 : i32
      %add3A_18 = arith.addi %mul3A_16, %add3A_17 : i32
      %scan3A_19 = arith.constant 0 : i32
      %scan3A_20 = arith.constant 0 : i32
      %scan3A_21 = arith.constant 20 : i32
      %scan3A_22 = arith.addi %scan3A_20, %scan3A_21 : i32
      %scan3A_23 = arith.constant 1 : i32
      scf.for %scan3A_56 = %scan3A_20 to %scan3A_22 step %scan3A_23  : i32 {
        %mul3A_57 = arith.constant 16 : i32
        %mul3A_58 = arith.muli %scan3A_56, %mul3A_57 : i32
        %get3A = arith.index_cast %add3A_18 : i32 to index
        %get3A_59 = arith.index_cast %mul3A_58 : i32 to index
        %get3A_60 = tpu.vector_load %arg5[%get3A, %get3A_59] {strides = array<i32>} : memref<20x320xi32, #tpu.memory_space<vmem>>, vector<1x16xi32>,
        %get3A_61 = vector.shape_cast %get3A_60 : vector<1x16xi32> to vector<16xi32>
        %shift_right_logical3A = arith.constant 3 : i32
        %shift_right_logical3A_62 = vector.broadcast %shift_right_logical3A : i32 to vector<16xi32>
        %shift_right_logical3A_63 = arith.shrui %get3A_61, %shift_right_logical3A_62 : vector<16xi32>
        %and3A = arith.constant 7 : i32
        %and3A_64 = vector.broadcast %and3A : i32 to vector<16xi32>
        %and3A_65 = arith.andi %get3A_61, %and3A_64 : vector<16xi32>
        %slice3A = vector.extract_strided_slice %shift_right_logical3A_63 {offsets = [0], sizes = [1], strides = [1]} : vector<16xi32> to vector<1xi32>
        %squeeze3A = vector.extract %slice3A[0] : i32 from vector<1xi32>
        %slice3A_66 = vector.extract_strided_slice %and3A_65 {offsets = [0], sizes = [1], strides = [1]} : vector<16xi32> to vector<1xi32>
        %squeeze3A_67 = vector.extract %slice3A_66[0] : i32 from vector<1xi32>
        %mul3A_68 = arith.constant 16 : i32
        %mul3A_69 = arith.muli %scan3A_56, %mul3A_68 : i32
        %add3A_70 = arith.constant 0 : i32
        %add3A_71 = arith.addi %mul3A_69, %add3A_70 : i32
        %dma_start3A = arith.constant 0 : i32
        %dma_start3A_72 = tpu.memref_slice %arg7[%add3A_71, %dma_start3A] : memref<320x64xf32, #tpu.memory_space<vmem>> -> memref<1x64xf32, #tpu.memory_space<vmem>>
        %dma_start3A_73 = tpu.memref_reshape %dma_start3A_72 : memref<1x64xf32, #tpu.memory_space<vmem>> -> memref<1x1x64xf32, #tpu.memory_space<vmem>>
        %dma_start3A_74 = arith.constant 0 : i32
        %dma_start3A_75 = tpu.memref_slice %arg3[%squeeze3A, %squeeze3A_67, %dma_start3A_74] : memref<125000x8x64xf32, #tpu.memory_space<hbm>> -> memref<1x1x64xf32, #tpu.memory_space<hbm>>
        %dma_start3A_76 = arith.constant 0 : i32
        %dma_start3A_77 = tpu.memref_slice %arg7[%add3A_71, %dma_start3A_76] : memref<320x64xf32, #tpu.memory_space<vmem>> -> memref<1x64xf32, #tpu.memory_space<vmem>>
        %dma_start3A_78 = tpu.memref_reshape %dma_start3A_77 : memref<1x64xf32, #tpu.memory_space<vmem>> -> memref<1x1x64xf32, #tpu.memory_space<vmem>>
        %dma_start3A_79 = arith.constant 0 : i32
        %dma_start3A_80 = tpu.memref_slice %arg3[%squeeze3A, %squeeze3A_67, %dma_start3A_79] : memref<125000x8x64xf32, #tpu.memory_space<hbm>> -> memref<1x1x64xf32, #tpu.memory_space<hbm>>
        tpu.enqueue_dma source(%dma_start3A_80 : memref<1x1x64xf32, #tpu.memory_space<hbm>>) target(%dma_start3A_78 : memref<1x1x64xf32, #tpu.memory_space<vmem>>) target_semaphore(%arg9 : memref<!tpu.dma_semaphore, #tpu.memory_space<semaphore_mem>>)
        %slice3A_81 = vector.extract_strided_slice %shift_right_logical3A_63 {offsets = [1], sizes = [1], strides = [1]} : vector<16xi32> to vector<1xi32>
        %squeeze3A_82 = vector.extract %slice3A_81[0] : i32 from vector<1xi32>
        %slice3A_83 = vector.extract_strided_slice %and3A_65 {offsets = [1], sizes = [1], strides = [1]} : vector<16xi32> to vector<1xi32>
        %squeeze3A_84 = vector.extract %slice3A_83[0] : i32 from vector<1xi32>
        %mul3A_85 = arith.constant 16 : i32
        %mul3A_86 = arith.muli %scan3A_56, %mul3A_85 : i32
        %add3A_87 = arith.constant 1 : i32
        %add3A_88 = arith.addi %mul3A_86, %add3A_87 : i32
        %dma_start3A_89 = arith.constant 0 : i32
        %dma_start3A_90 = tpu.memref_slice %arg7[%add3A_88, %dma_start3A_89] : memref<320x64xf32, #tpu.memory_space<vmem>> -> memref<1x64xf32, #tpu.memory_space<vmem>>
        %dma_start3A_91 = tpu.memref_reshape %dma_start3A_90 : memref<1x64xf32, #tpu.memory_space<vmem>> -> memref<1x1x64xf32, #tpu.memory_space<vmem>>
        %dma_start3A_92 = arith.constant 0 : i32
        %dma_start3A_93 = tpu.memref_slice %arg3[%squeeze3A_82, %squeeze3A_84, %dma_start3A_92] : memref<125000x8x64xf32, #tpu.memory_space<hbm>> -> memref<1x1x64xf32, #tpu.memory_space<hbm>>
        %dma_start3A_94 = arith.constant 0 : i32
        %dma_start3A_95 = tpu.memref_slice %arg7[%add3A_88, %dma_start3A_94] : memref<320x64xf32, #tpu.memory_space<vmem>> -> memref<1x64xf32, #tpu.memory_space<vmem>>
        %dma_start3A_96 = tpu.memref_reshape %dma_start3A_95 : memref<1x64xf32, #tpu.memory_space<vmem>> -> memref<1x1x64xf32, #tpu.memory_space<vmem>>
        %dma_start3A_97 = arith.constant 0 : i32
        %dma_start3A_98 = tpu.memref_slice %arg3[%squeeze3A_82, %squeeze3A_84, %dma_start3A_97] : memref<125000x8x64xf32, #tpu.memory_space<hbm>> -> memref<1x1x64xf32, #tpu.memory_space<hbm>>
        tpu.enqueue_dma source(%dma_start3A_98 : memref<1x1x64xf32, #tpu.memory_space<hbm>>) target(%dma_start3A_96 : memref<1x1x64xf32, #tpu.memory_space<vmem>>) target_semaphore(%arg9 : memref<!tpu.dma_semaphore, #tpu.memory_space<semaphore_mem>>)
        %slice3A_99 = vector.extract_strided_slice %shift_right_logical3A_63 {offsets = [2], sizes = [1], strides = [1]} : vector<16xi32> to vector<1xi32>
        %squeeze3A_100 = vector.extract %slice3A_99[0] : i32 from vector<1xi32>
        %slice3A_101 = vector.extract_strided_slice %and3A_65 {offsets = [2], sizes = [1], strides = [1]} : vector<16xi32> to vector<1xi32>
        %squeeze3A_102 = vector.extract %slice3A_101[0] : i32 from vector<1xi32>
        %mul3A_103 = arith.constant 16 : i32
        %mul3A_104 = arith.muli %scan3A_56, %mul3A_103 : i32
        %add3A_105 = arith.constant 2 : i32
        %add3A_106 = arith.addi %mul3A_104, %add3A_105 : i32
        %dma_start3A_107 = arith.constant 0 : i32
        %dma_start3A_108 = tpu.memref_slice %arg7[%add3A_106, %dma_start3A_107] : memref<320x64xf32, #tpu.memory_space<vmem>> -> memref<1x64xf32, #tpu.memory_space<vmem>>
        %dma_start3A_109 = tpu.memref_reshape %dma_start3A_108 : memref<1x64xf32, #tpu.memory_space<vmem>> -> memref<1x1x64xf32, #tpu.memory_space<vmem>>
        %dma_start3A_110 = arith.constant 0 : i32
        %dma_start3A_111 = tpu.memref_slice %arg3[%squeeze3A_100, %squeeze3A_102, %dma_start3A_110] : memref<125000x8x64xf32, #tpu.memory_space<hbm>> -> memref<1x1x64xf32, #tpu.memory_space<hbm>>
        %dma_start3A_112 = arith.constant 0 : i32
        %dma_start3A_113 = tpu.memref_slice %arg7[%add3A_106, %dma_start3A_112] : memref<320x64xf32, #tpu.memory_space<vmem>> -> memref<1x64xf32, #tpu.memory_space<vmem>>
        %dma_start3A_114 = tpu.memref_reshape %dma_start3A_113 : memref<1x64xf32, #tpu.memory_space<vmem>> -> memref<1x1x64xf32, #tpu.memory_space<vmem>>
        %dma_start3A_115 = arith.constant 0 : i32
        %dma_start3A_116 = tpu.memref_slice %arg3[%squeeze3A_100, %squeeze3A_102, %dma_start3A_115] : memref<125000x8x64xf32, #tpu.memory_space<hbm>> -> memref<1x1x64xf32, #tpu.memory_space<hbm>>
        tpu.enqueue_dma source(%dma_start3A_116 : memref<1x1x64xf32, #tpu.memory_space<hbm>>) target(%dma_start3A_114 : memref<1x1x64xf32, #tpu.memory_space<vmem>>) target_semaphore(%arg9 : memref<!tpu.dma_semaphore, #tpu.memory_space<semaphore_mem>>)
        %slice3A_117 = vector.extract_strided_slice %shift_right_logical3A_63 {offsets = [3], sizes = [1], strides = [1]} : vector<16xi32> to vector<1xi32>
        %squeeze3A_118 = vector.extract %slice3A_117[0] : i32 from vector<1xi32>
        %slice3A_119 = vector.extract_strided_slice %and3A_65 {offsets = [3], sizes = [1], strides = [1]} : vector<16xi32> to vector<1xi32>
        %squeeze3A_120 = vector.extract %slice3A_119[0] : i32 from vector<1xi32>
        %mul3A_121 = arith.constant 16 : i32
        %mul3A_122 = arith.muli %scan3A_56, %mul3A_121 : i32
        %add3A_123 = arith.constant 3 : i32
        %add3A_124 = arith.addi %mul3A_122, %add3A_123 : i32
        %dma_start3A_125 = arith.constant 0 : i32
        %dma_start3A_126 = tpu.memref_slice %arg7[%add3A_124, %dma_start3A_125] : memref<320x64xf32, #tpu.memory_space<vmem>> -> memref<1x64xf32, #tpu.memory_space<vmem>>
        %dma_start3A_127 = tpu.memref_reshape %dma_start3A_126 : memref<1x64xf32, #tpu.memory_space<vmem>> -> memref<1x1x64xf32, #tpu.memory_space<vmem>>
        %dma_start3A_128 = arith.constant 0 : i32
        %dma_start3A_129 = tpu.memref_slice %arg3[%squeeze3A_118, %squeeze3A_120, %dma_start3A_128] : memref<125000x8x64xf32, #tpu.memory_space<hbm>> -> memref<1x1x64xf32, #tpu.memory_space<hbm>>
        %dma_start3A_130 = arith.constant 0 : i32
        %dma_start3A_131 = tpu.memref_slice %arg7[%add3A_124, %dma_start3A_130] : memref<320x64xf32, #tpu.memory_space<vmem>> -> memref<1x64xf32, #tpu.memory_space<vmem>>
        %dma_start3A_132 = tpu.memref_reshape %dma_start3A_131 : memref<1x64xf32, #tpu.memory_space<vmem>> -> memref<1x1x64xf32, #tpu.memory_space<vmem>>
        %dma_start3A_133 = arith.constant 0 : i32
        %dma_start3A_134 = tpu.memref_slice %arg3[%squeeze3A_118, %squeeze3A_120, %dma_start3A_133] : memref<125000x8x64xf32, #tpu.memory_space<hbm>> -> memref<1x1x64xf32, #tpu.memory_space<hbm>>
        tpu.enqueue_dma source(%dma_start3A_134 : memref<1x1x64xf32, #tpu.memory_space<hbm>>) target(%dma_start3A_132 : memref<1x1x64xf32, #tpu.memory_space<vmem>>) target_semaphore(%arg9 : memref<!tpu.dma_semaphore, #tpu.memory_space<semaphore_mem>>)
        %slice3A_135 = vector.extract_strided_slice %shift_right_logical3A_63 {offsets = [4], sizes = [1], strides = [1]} : vector<16xi32> to vector<1xi32>
        %squeeze3A_136 = vector.extract %slice3A_135[0] : i32 from vector<1xi32>
        %slice3A_137 = vector.extract_strided_slice %and3A_65 {offsets = [4], sizes = [1], strides = [1]} : vector<16xi32> to vector<1xi32>
        %squeeze3A_138 = vector.extract %slice3A_137[0] : i32 from vector<1xi32>
        %mul3A_139 = arith.constant 16 : i32
        %mul3A_140 = arith.muli %scan3A_56, %mul3A_139 : i32
        %add3A_141 = arith.constant 4 : i32
        %add3A_142 = arith.addi %mul3A_140, %add3A_141 : i32
        %dma_start3A_143 = arith.constant 0 : i32
        %dma_start3A_144 = tpu.memref_slice %arg7[%add3A_142, %dma_start3A_143] : memref<320x64xf32, #tpu.memory_space<vmem>> -> memref<1x64xf32, #tpu.memory_space<vmem>>
        %dma_start3A_145 = tpu.memref_reshape %dma_start3A_144 : memref<1x64xf32, #tpu.memory_space<vmem>> -> memref<1x1x64xf32, #tpu.memory_space<vmem>>
        %dma_start3A_146 = arith.constant 0 : i32
        %dma_start3A_147 = tpu.memref_slice %arg3[%squeeze3A_136, %squeeze3A_138, %dma_start3A_146] : memref<125000x8x64xf32, #tpu.memory_space<hbm>> -> memref<1x1x64xf32, #tpu.memory_space<hbm>>
        %dma_start3A_148 = arith.constant 0 : i32
        %dma_start3A_149 = tpu.memref_slice %arg7[%add3A_142, %dma_start3A_148] : memref<320x64xf32, #tpu.memory_space<vmem>> -> memref<1x64xf32, #tpu.memory_space<vmem>>
        %dma_start3A_150 = tpu.memref_reshape %dma_start3A_149 : memref<1x64xf32, #tpu.memory_space<vmem>> -> memref<1x1x64xf32, #tpu.memory_space<vmem>>
        %dma_start3A_151 = arith.constant 0 : i32
        %dma_start3A_152 = tpu.memref_slice %arg3[%squeeze3A_136, %squeeze3A_138, %dma_start3A_151] : memref<125000x8x64xf32, #tpu.memory_space<hbm>> -> memref<1x1x64xf32, #tpu.memory_space<hbm>>
        tpu.enqueue_dma source(%dma_start3A_152 : memref<1x1x64xf32, #tpu.memory_space<hbm>>) target(%dma_start3A_150 : memref<1x1x64xf32, #tpu.memory_space<vmem>>) target_semaphore(%arg9 : memref<!tpu.dma_semaphore, #tpu.memory_space<semaphore_mem>>)
        %slice3A_153 = vector.extract_strided_slice %shift_right_logical3A_63 {offsets = [5], sizes = [1], strides = [1]} : vector<16xi32> to vector<1xi32>
        %squeeze3A_154 = vector.extract %slice3A_153[0] : i32 from vector<1xi32>
        %slice3A_155 = vector.extract_strided_slice %and3A_65 {offsets = [5], sizes = [1], strides = [1]} : vector<16xi32> to vector<1xi32>
        %squeeze3A_156 = vector.extract %slice3A_155[0] : i32 from vector<1xi32>
        %mul3A_157 = arith.constant 16 : i32
        %mul3A_158 = arith.muli %scan3A_56, %mul3A_157 : i32
        %add3A_159 = arith.constant 5 : i32
        %add3A_160 = arith.addi %mul3A_158, %add3A_159 : i32
        %dma_start3A_161 = arith.constant 0 : i32
        %dma_start3A_162 = tpu.memref_slice %arg7[%add3A_160, %dma_start3A_161] : memref<320x64xf32, #tpu.memory_space<vmem>> -> memref<1x64xf32, #tpu.memory_space<vmem>>
        %dma_start3A_163 = tpu.memref_reshape %dma_start3A_162 : memref<1x64xf32, #tpu.memory_space<vmem>> -> memref<1x1x64xf32, #tpu.memory_space<vmem>>
        %dma_start3A_164 = arith.constant 0 : i32
        %dma_start3A_165 = tpu.memref_slice %arg3[%squeeze3A_154, %squeeze3A_156, %dma_start3A_164] : memref<125000x8x64xf32, #tpu.memory_space<hbm>> -> memref<1x1x64xf32, #tpu.memory_space<hbm>>
        %dma_start3A_166 = arith.constant 0 : i32
        %dma_start3A_167 = tpu.memref_slice %arg7[%add3A_160, %dma_start3A_166] : memref<320x64xf32, #tpu.memory_space<vmem>> -> memref<1x64xf32, #tpu.memory_space<vmem>>
        %dma_start3A_168 = tpu.memref_reshape %dma_start3A_167 : memref<1x64xf32, #tpu.memory_space<vmem>> -> memref<1x1x64xf32, #tpu.memory_space<vmem>>
        %dma_start3A_169 = arith.constant 0 : i32
        %dma_start3A_170 = tpu.memref_slice %arg3[%squeeze3A_154, %squeeze3A_156, %dma_start3A_169] : memref<125000x8x64xf32, #tpu.memory_space<hbm>> -> memref<1x1x64xf32, #tpu.memory_space<hbm>>
        tpu.enqueue_dma source(%dma_start3A_170 : memref<1x1x64xf32, #tpu.memory_space<hbm>>) target(%dma_start3A_168 : memref<1x1x64xf32, #tpu.memory_space<vmem>>) target_semaphore(%arg9 : memref<!tpu.dma_semaphore, #tpu.memory_space<semaphore_mem>>)
        %slice3A_171 = vector.extract_strided_slice %shift_right_logical3A_63 {offsets = [6], sizes = [1], strides = [1]} : vector<16xi32> to vector<1xi32>
        %squeeze3A_172 = vector.extract %slice3A_171[0] : i32 from vector<1xi32>
        %slice3A_173 = vector.extract_strided_slice %and3A_65 {offsets = [6], sizes = [1], strides = [1]} : vector<16xi32> to vector<1xi32>
        %squeeze3A_174 = vector.extract %slice3A_173[0] : i32 from vector<1xi32>
        %mul3A_175 = arith.constant 16 : i32
        %mul3A_176 = arith.muli %scan3A_56, %mul3A_175 : i32
        %add3A_177 = arith.constant 6 : i32
        %add3A_178 = arith.addi %mul3A_176, %add3A_177 : i32
        %dma_start3A_179 = arith.constant 0 : i32
        %dma_start3A_180 = tpu.memref_slice %arg7[%add3A_178, %dma_start3A_179] : memref<320x64xf32, #tpu.memory_space<vmem>> -> memref<1x64xf32, #tpu.memory_space<vmem>>
        %dma_start3A_181 = tpu.memref_reshape %dma_start3A_180 : memref<1x64xf32, #tpu.memory_space<vmem>> -> memref<1x1x64xf32, #tpu.memory_space<vmem>>
        %dma_start3A_182 = arith.constant 0 : i32
        %dma_start3A_183 = tpu.memref_slice %arg3[%squeeze3A_172, %squeeze3A_174, %dma_start3A_182] : memref<125000x8x64xf32, #tpu.memory_space<hbm>> -> memref<1x1x64xf32, #tpu.memory_space<hbm>>
        %dma_start3A_184 = arith.constant 0 : i32
        %dma_start3A_185 = tpu.memref_slice %arg7[%add3A_178, %dma_start3A_184] : memref<320x64xf32, #tpu.memory_space<vmem>> -> memref<1x64xf32, #tpu.memory_space<vmem>>
        %dma_start3A_186 = tpu.memref_reshape %dma_start3A_185 : memref<1x64xf32, #tpu.memory_space<vmem>> -> memref<1x1x64xf32, #tpu.memory_space<vmem>>
        %dma_start3A_187 = arith.constant 0 : i32
        %dma_start3A_188 = tpu.memref_slice %arg3[%squeeze3A_172, %squeeze3A_174, %dma_start3A_187] : memref<125000x8x64xf32, #tpu.memory_space<hbm>> -> memref<1x1x64xf32, #tpu.memory_space<hbm>>
        tpu.enqueue_dma source(%dma_start3A_188 : memref<1x1x64xf32, #tpu.memory_space<hbm>>) target(%dma_start3A_186 : memref<1x1x64xf32, #tpu.memory_space<vmem>>) target_semaphore(%arg9 : memref<!tpu.dma_semaphore, #tpu.memory_space<semaphore_mem>>)
        %slice3A_189 = vector.extract_strided_slice %shift_right_logical3A_63 {offsets = [7], sizes = [1], strides = [1]} : vector<16xi32> to vector<1xi32>
        %squeeze3A_190 = vector.extract %slice3A_189[0] : i32 from vector<1xi32>
        %slice3A_191 = vector.extract_strided_slice %and3A_65 {offsets = [7], sizes = [1], strides = [1]} : vector<16xi32> to vector<1xi32>
        %squeeze3A_192 = vector.extract %slice3A_191[0] : i32 from vector<1xi32>
        %mul3A_193 = arith.constant 16 : i32
        %mul3A_194 = arith.muli %scan3A_56, %mul3A_193 : i32
        %add3A_195 = arith.constant 7 : i32
        %add3A_196 = arith.addi %mul3A_194, %add3A_195 : i32
        %dma_start3A_197 = arith.constant 0 : i32
        %dma_start3A_198 = tpu.memref_slice %arg7[%add3A_196, %dma_start3A_197] : memref<320x64xf32, #tpu.memory_space<vmem>> -> memref<1x64xf32, #tpu.memory_space<vmem>>
        %dma_start3A_199 = tpu.memref_reshape %dma_start3A_198 : memref<1x64xf32, #tpu.memory_space<vmem>> -> memref<1x1x64xf32, #tpu.memory_space<vmem>>
        %dma_start3A_200 = arith.constant 0 : i32
        %dma_start3A_201 = tpu.memref_slice %arg3[%squeeze3A_190, %squeeze3A_192, %dma_start3A_200] : memref<125000x8x64xf32, #tpu.memory_space<hbm>> -> memref<1x1x64xf32, #tpu.memory_space<hbm>>
        %dma_start3A_202 = arith.constant 0 : i32
        %dma_start3A_203 = tpu.memref_slice %arg7[%add3A_196, %dma_start3A_202] : memref<320x64xf32, #tpu.memory_space<vmem>> -> memref<1x64xf32, #tpu.memory_space<vmem>>
        %dma_start3A_204 = tpu.memref_reshape %dma_start3A_203 : memref<1x64xf32, #tpu.memory_space<vmem>> -> memref<1x1x64xf32, #tpu.memory_space<vmem>>
        %dma_start3A_205 = arith.constant 0 : i32
        %dma_start3A_206 = tpu.memref_slice %arg3[%squeeze3A_190, %squeeze3A_192, %dma_start3A_205] : memref<125000x8x64xf32, #tpu.memory_space<hbm>> -> memref<1x1x64xf32, #tpu.memory_space<hbm>>
        tpu.enqueue_dma source(%dma_start3A_206 : memref<1x1x64xf32, #tpu.memory_space<hbm>>) target(%dma_start3A_204 : memref<1x1x64xf32, #tpu.memory_space<vmem>>) target_semaphore(%arg9 : memref<!tpu.dma_semaphore, #tpu.memory_space<semaphore_mem>>)
        %slice3A_207 = vector.extract_strided_slice %shift_right_logical3A_63 {offsets = [8], sizes = [1], strides = [1]} : vector<16xi32> to vector<1xi32>
        %squeeze3A_208 = vector.extract %slice3A_207[0] : i32 from vector<1xi32>
        %slice3A_209 = vector.extract_strided_slice %and3A_65 {offsets = [8], sizes = [1], strides = [1]} : vector<16xi32> to vector<1xi32>
        %squeeze3A_210 = vector.extract %slice3A_209[0] : i32 from vector<1xi32>
        %mul3A_211 = arith.constant 16 : i32
        %mul3A_212 = arith.muli %scan3A_56, %mul3A_211 : i32
        %add3A_213 = arith.constant 8 : i32
        %add3A_214 = arith.addi %mul3A_212, %add3A_213 : i32
        %dma_start3A_215 = arith.constant 0 : i32
        %dma_start3A_216 = tpu.memref_slice %arg7[%add3A_214, %dma_start3A_215] : memref<320x64xf32, #tpu.memory_space<vmem>> -> memref<1x64xf32, #tpu.memory_space<vmem>>
        %dma_start3A_217 = tpu.memref_reshape %dma_start3A_216 : memref<1x64xf32, #tpu.memory_space<vmem>> -> memref<1x1x64xf32, #tpu.memory_space<vmem>>
        %dma_start3A_218 = arith.constant 0 : i32
        %dma_start3A_219 = tpu.memref_slice %arg3[%squeeze3A_208, %squeeze3A_210, %dma_start3A_218] : memref<125000x8x64xf32, #tpu.memory_space<hbm>> -> memref<1x1x64xf32, #tpu.memory_space<hbm>>
        %dma_start3A_220 = arith.constant 0 : i32
        %dma_start3A_221 = tpu.memref_slice %arg7[%add3A_214, %dma_start3A_220] : memref<320x64xf32, #tpu.memory_space<vmem>> -> memref<1x64xf32, #tpu.memory_space<vmem>>
        %dma_start3A_222 = tpu.memref_reshape %dma_start3A_221 : memref<1x64xf32, #tpu.memory_space<vmem>> -> memref<1x1x64xf32, #tpu.memory_space<vmem>>
        %dma_start3A_223 = arith.constant 0 : i32
        %dma_start3A_224 = tpu.memref_slice %arg3[%squeeze3A_208, %squeeze3A_210, %dma_start3A_223] : memref<125000x8x64xf32, #tpu.memory_space<hbm>> -> memref<1x1x64xf32, #tpu.memory_space<hbm>>
        tpu.enqueue_dma source(%dma_start3A_224 : memref<1x1x64xf32, #tpu.memory_space<hbm>>) target(%dma_start3A_222 : memref<1x1x64xf32, #tpu.memory_space<vmem>>) target_semaphore(%arg9 : memref<!tpu.dma_semaphore, #tpu.memory_space<semaphore_mem>>)
        %slice3A_225 = vector.extract_strided_slice %shift_right_logical3A_63 {offsets = [9], sizes = [1], strides = [1]} : vector<16xi32> to vector<1xi32>
        %squeeze3A_226 = vector.extract %slice3A_225[0] : i32 from vector<1xi32>
        %slice3A_227 = vector.extract_strided_slice %and3A_65 {offsets = [9], sizes = [1], strides = [1]} : vector<16xi32> to vector<1xi32>
        %squeeze3A_228 = vector.extract %slice3A_227[0] : i32 from vector<1xi32>
        %mul3A_229 = arith.constant 16 : i32
        %mul3A_230 = arith.muli %scan3A_56, %mul3A_229 : i32
        %add3A_231 = arith.constant 9 : i32
        %add3A_232 = arith.addi %mul3A_230, %add3A_231 : i32
        %dma_start3A_233 = arith.constant 0 : i32
        %dma_start3A_234 = tpu.memref_slice %arg7[%add3A_232, %dma_start3A_233] : memref<320x64xf32, #tpu.memory_space<vmem>> -> memref<1x64xf32, #tpu.memory_space<vmem>>
        %dma_start3A_235 = tpu.memref_reshape %dma_start3A_234 : memref<1x64xf32, #tpu.memory_space<vmem>> -> memref<1x1x64xf32, #tpu.memory_space<vmem>>
        %dma_start3A_236 = arith.constant 0 : i32
        %dma_start3A_237 = tpu.memref_slice %arg3[%squeeze3A_226, %squeeze3A_228, %dma_start3A_236] : memref<125000x8x64xf32, #tpu.memory_space<hbm>> -> memref<1x1x64xf32, #tpu.memory_space<hbm>>
        %dma_start3A_238 = arith.constant 0 : i32
        %dma_start3A_239 = tpu.memref_slice %arg7[%add3A_232, %dma_start3A_238] : memref<320x64xf32, #tpu.memory_space<vmem>> -> memref<1x64xf32, #tpu.memory_space<vmem>>
        %dma_start3A_240 = tpu.memref_reshape %dma_start3A_239 : memref<1x64xf32, #tpu.memory_space<vmem>> -> memref<1x1x64xf32, #tpu.memory_space<vmem>>
        %dma_start3A_241 = arith.constant 0 : i32
        %dma_start3A_242 = tpu.memref_slice %arg3[%squeeze3A_226, %squeeze3A_228, %dma_start3A_241] : memref<125000x8x64xf32, #tpu.memory_space<hbm>> -> memref<1x1x64xf32, #tpu.memory_space<hbm>>
        tpu.enqueue_dma source(%dma_start3A_242 : memref<1x1x64xf32, #tpu.memory_space<hbm>>) target(%dma_start3A_240 : memref<1x1x64xf32, #tpu.memory_space<vmem>>) target_semaphore(%arg9 : memref<!tpu.dma_semaphore, #tpu.memory_space<semaphore_mem>>)
        %slice3A_243 = vector.extract_strided_slice %shift_right_logical3A_63 {offsets = [10], sizes = [1], strides = [1]} : vector<16xi32> to vector<1xi32>
        %squeeze3A_244 = vector.extract %slice3A_243[0] : i32 from vector<1xi32>
        %slice3A_245 = vector.extract_strided_slice %and3A_65 {offsets = [10], sizes = [1], strides = [1]} : vector<16xi32> to vector<1xi32>
        %squeeze3A_246 = vector.extract %slice3A_245[0] : i32 from vector<1xi32>
        %mul3A_247 = arith.constant 16 : i32
        %mul3A_248 = arith.muli %scan3A_56, %mul3A_247 : i32
        %add3A_249 = arith.constant 10 : i32
        %add3A_250 = arith.addi %mul3A_248, %add3A_249 : i32
        %dma_start3A_251 = arith.constant 0 : i32
        %dma_start3A_252 = tpu.memref_slice %arg7[%add3A_250, %dma_start3A_251] : memref<320x64xf32, #tpu.memory_space<vmem>> -> memref<1x64xf32, #tpu.memory_space<vmem>>
        %dma_start3A_253 = tpu.memref_reshape %dma_start3A_252 : memref<1x64xf32, #tpu.memory_space<vmem>> -> memref<1x1x64xf32, #tpu.memory_space<vmem>>
        %dma_start3A_254 = arith.constant 0 : i32
        %dma_start3A_255 = tpu.memref_slice %arg3[%squeeze3A_244, %squeeze3A_246, %dma_start3A_254] : memref<125000x8x64xf32, #tpu.memory_space<hbm>> -> memref<1x1x64xf32, #tpu.memory_space<hbm>>
        %dma_start3A_256 = arith.constant 0 : i32
        %dma_start3A_257 = tpu.memref_slice %arg7[%add3A_250, %dma_start3A_256] : memref<320x64xf32, #tpu.memory_space<vmem>> -> memref<1x64xf32, #tpu.memory_space<vmem>>
        %dma_start3A_258 = tpu.memref_reshape %dma_start3A_257 : memref<1x64xf32, #tpu.memory_space<vmem>> -> memref<1x1x64xf32, #tpu.memory_space<vmem>>
        %dma_start3A_259 = arith.constant 0 : i32
        %dma_start3A_260 = tpu.memref_slice %arg3[%squeeze3A_244, %squeeze3A_246, %dma_start3A_259] : memref<125000x8x64xf32, #tpu.memory_space<hbm>> -> memref<1x1x64xf32, #tpu.memory_space<hbm>>
        tpu.enqueue_dma source(%dma_start3A_260 : memref<1x1x64xf32, #tpu.memory_space<hbm>>) target(%dma_start3A_258 : memref<1x1x64xf32, #tpu.memory_space<vmem>>) target_semaphore(%arg9 : memref<!tpu.dma_semaphore, #tpu.memory_space<semaphore_mem>>)
        %slice3A_261 = vector.extract_strided_slice %shift_right_logical3A_63 {offsets = [11], sizes = [1], strides = [1]} : vector<16xi32> to vector<1xi32>
        %squeeze3A_262 = vector.extract %slice3A_261[0] : i32 from vector<1xi32>
        %slice3A_263 = vector.extract_strided_slice %and3A_65 {offsets = [11], sizes = [1], strides = [1]} : vector<16xi32> to vector<1xi32>
        %squeeze3A_264 = vector.extract %slice3A_263[0] : i32 from vector<1xi32>
        %mul3A_265 = arith.constant 16 : i32
        %mul3A_266 = arith.muli %scan3A_56, %mul3A_265 : i32
        %add3A_267 = arith.constant 11 : i32
        %add3A_268 = arith.addi %mul3A_266, %add3A_267 : i32
        %dma_start3A_269 = arith.constant 0 : i32
        %dma_start3A_270 = tpu.memref_slice %arg7[%add3A_268, %dma_start3A_269] : memref<320x64xf32, #tpu.memory_space<vmem>> -> memref<1x64xf32, #tpu.memory_space<vmem>>
        %dma_start3A_271 = tpu.memref_reshape %dma_start3A_270 : memref<1x64xf32, #tpu.memory_space<vmem>> -> memref<1x1x64xf32, #tpu.memory_space<vmem>>
        %dma_start3A_272 = arith.constant 0 : i32
        %dma_start3A_273 = tpu.memref_slice %arg3[%squeeze3A_262, %squeeze3A_264, %dma_start3A_272] : memref<125000x8x64xf32, #tpu.memory_space<hbm>> -> memref<1x1x64xf32, #tpu.memory_space<hbm>>
        %dma_start3A_274 = arith.constant 0 : i32
        %dma_start3A_275 = tpu.memref_slice %arg7[%add3A_268, %dma_start3A_274] : memref<320x64xf32, #tpu.memory_space<vmem>> -> memref<1x64xf32, #tpu.memory_space<vmem>>
        %dma_start3A_276 = tpu.memref_reshape %dma_start3A_275 : memref<1x64xf32, #tpu.memory_space<vmem>> -> memref<1x1x64xf32, #tpu.memory_space<vmem>>
        %dma_start3A_277 = arith.constant 0 : i32
        %dma_start3A_278 = tpu.memref_slice %arg3[%squeeze3A_262, %squeeze3A_264, %dma_start3A_277] : memref<125000x8x64xf32, #tpu.memory_space<hbm>> -> memref<1x1x64xf32, #tpu.memory_space<hbm>>
        tpu.enqueue_dma source(%dma_start3A_278 : memref<1x1x64xf32, #tpu.memory_space<hbm>>) target(%dma_start3A_276 : memref<1x1x64xf32, #tpu.memory_space<vmem>>) target_semaphore(%arg9 : memref<!tpu.dma_semaphore, #tpu.memory_space<semaphore_mem>>)
        %slice3A_279 = vector.extract_strided_slice %shift_right_logical3A_63 {offsets = [12], sizes = [1], strides = [1]} : vector<16xi32> to vector<1xi32>
        %squeeze3A_280 = vector.extract %slice3A_279[0] : i32 from vector<1xi32>
        %slice3A_281 = vector.extract_strided_slice %and3A_65 {offsets = [12], sizes = [1], strides = [1]} : vector<16xi32> to vector<1xi32>
        %squeeze3A_282 = vector.extract %slice3A_281[0] : i32 from vector<1xi32>
        %mul3A_283 = arith.constant 16 : i32
        %mul3A_284 = arith.muli %scan3A_56, %mul3A_283 : i32
        %add3A_285 = arith.constant 12 : i32
        %add3A_286 = arith.addi %mul3A_284, %add3A_285 : i32
        %dma_start3A_287 = arith.constant 0 : i32
        %dma_start3A_288 = tpu.memref_slice %arg7[%add3A_286, %dma_start3A_287] : memref<320x64xf32, #tpu.memory_space<vmem>> -> memref<1x64xf32, #tpu.memory_space<vmem>>
        %dma_start3A_289 = tpu.memref_reshape %dma_start3A_288 : memref<1x64xf32, #tpu.memory_space<vmem>> -> memref<1x1x64xf32, #tpu.memory_space<vmem>>
        %dma_start3A_290 = arith.constant 0 : i32
        %dma_start3A_291 = tpu.memref_slice %arg3[%squeeze3A_280, %squeeze3A_282, %dma_start3A_290] : memref<125000x8x64xf32, #tpu.memory_space<hbm>> -> memref<1x1x64xf32, #tpu.memory_space<hbm>>
        %dma_start3A_292 = arith.constant 0 : i32
        %dma_start3A_293 = tpu.memref_slice %arg7[%add3A_286, %dma_start3A_292] : memref<320x64xf32, #tpu.memory_space<vmem>> -> memref<1x64xf32, #tpu.memory_space<vmem>>
        %dma_start3A_294 = tpu.memref_reshape %dma_start3A_293 : memref<1x64xf32, #tpu.memory_space<vmem>> -> memref<1x1x64xf32, #tpu.memory_space<vmem>>
        %dma_start3A_295 = arith.constant 0 : i32
        %dma_start3A_296 = tpu.memref_slice %arg3[%squeeze3A_280, %squeeze3A_282, %dma_start3A_295] : memref<125000x8x64xf32, #tpu.memory_space<hbm>> -> memref<1x1x64xf32, #tpu.memory_space<hbm>>
        tpu.enqueue_dma source(%dma_start3A_296 : memref<1x1x64xf32, #tpu.memory_space<hbm>>) target(%dma_start3A_294 : memref<1x1x64xf32, #tpu.memory_space<vmem>>) target_semaphore(%arg9 : memref<!tpu.dma_semaphore, #tpu.memory_space<semaphore_mem>>)
        %slice3A_297 = vector.extract_strided_slice %shift_right_logical3A_63 {offsets = [13], sizes = [1], strides = [1]} : vector<16xi32> to vector<1xi32>
        %squeeze3A_298 = vector.extract %slice3A_297[0] : i32 from vector<1xi32>
        %slice3A_299 = vector.extract_strided_slice %and3A_65 {offsets = [13], sizes = [1], strides = [1]} : vector<16xi32> to vector<1xi32>
        %squeeze3A_300 = vector.extract %slice3A_299[0] : i32 from vector<1xi32>
        %mul3A_301 = arith.constant 16 : i32
        %mul3A_302 = arith.muli %scan3A_56, %mul3A_301 : i32
        %add3A_303 = arith.constant 13 : i32
        %add3A_304 = arith.addi %mul3A_302, %add3A_303 : i32
        %dma_start3A_305 = arith.constant 0 : i32
        %dma_start3A_306 = tpu.memref_slice %arg7[%add3A_304, %dma_start3A_305] : memref<320x64xf32, #tpu.memory_space<vmem>> -> memref<1x64xf32, #tpu.memory_space<vmem>>
        %dma_start3A_307 = tpu.memref_reshape %dma_start3A_306 : memref<1x64xf32, #tpu.memory_space<vmem>> -> memref<1x1x64xf32, #tpu.memory_space<vmem>>
        %dma_start3A_308 = arith.constant 0 : i32
        %dma_start3A_309 = tpu.memref_slice %arg3[%squeeze3A_298, %squeeze3A_300, %dma_start3A_308] : memref<125000x8x64xf32, #tpu.memory_space<hbm>> -> memref<1x1x64xf32, #tpu.memory_space<hbm>>
        %dma_start3A_310 = arith.constant 0 : i32
        %dma_start3A_311 = tpu.memref_slice %arg7[%add3A_304, %dma_start3A_310] : memref<320x64xf32, #tpu.memory_space<vmem>> -> memref<1x64xf32, #tpu.memory_space<vmem>>
        %dma_start3A_312 = tpu.memref_reshape %dma_start3A_311 : memref<1x64xf32, #tpu.memory_space<vmem>> -> memref<1x1x64xf32, #tpu.memory_space<vmem>>
        %dma_start3A_313 = arith.constant 0 : i32
        %dma_start3A_314 = tpu.memref_slice %arg3[%squeeze3A_298, %squeeze3A_300, %dma_start3A_313] : memref<125000x8x64xf32, #tpu.memory_space<hbm>> -> memref<1x1x64xf32, #tpu.memory_space<hbm>>
        tpu.enqueue_dma source(%dma_start3A_314 : memref<1x1x64xf32, #tpu.memory_space<hbm>>) target(%dma_start3A_312 : memref<1x1x64xf32, #tpu.memory_space<vmem>>) target_semaphore(%arg9 : memref<!tpu.dma_semaphore, #tpu.memory_space<semaphore_mem>>)
        %slice3A_315 = vector.extract_strided_slice %shift_right_logical3A_63 {offsets = [14], sizes = [1], strides = [1]} : vector<16xi32> to vector<1xi32>
        %squeeze3A_316 = vector.extract %slice3A_315[0] : i32 from vector<1xi32>
        %slice3A_317 = vector.extract_strided_slice %and3A_65 {offsets = [14], sizes = [1], strides = [1]} : vector<16xi32> to vector<1xi32>
        %squeeze3A_318 = vector.extract %slice3A_317[0] : i32 from vector<1xi32>
        %mul3A_319 = arith.constant 16 : i32
        %mul3A_320 = arith.muli %scan3A_56, %mul3A_319 : i32
        %add3A_321 = arith.constant 14 : i32
        %add3A_322 = arith.addi %mul3A_320, %add3A_321 : i32
        %dma_start3A_323 = arith.constant 0 : i32
        %dma_start3A_324 = tpu.memref_slice %arg7[%add3A_322, %dma_start3A_323] : memref<320x64xf32, #tpu.memory_space<vmem>> -> memref<1x64xf32, #tpu.memory_space<vmem>>
        %dma_start3A_325 = tpu.memref_reshape %dma_start3A_324 : memref<1x64xf32, #tpu.memory_space<vmem>> -> memref<1x1x64xf32, #tpu.memory_space<vmem>>
        %dma_start3A_326 = arith.constant 0 : i32
        %dma_start3A_327 = tpu.memref_slice %arg3[%squeeze3A_316, %squeeze3A_318, %dma_start3A_326] : memref<125000x8x64xf32, #tpu.memory_space<hbm>> -> memref<1x1x64xf32, #tpu.memory_space<hbm>>
        %dma_start3A_328 = arith.constant 0 : i32
        %dma_start3A_329 = tpu.memref_slice %arg7[%add3A_322, %dma_start3A_328] : memref<320x64xf32, #tpu.memory_space<vmem>> -> memref<1x64xf32, #tpu.memory_space<vmem>>
        %dma_start3A_330 = tpu.memref_reshape %dma_start3A_329 : memref<1x64xf32, #tpu.memory_space<vmem>> -> memref<1x1x64xf32, #tpu.memory_space<vmem>>
        %dma_start3A_331 = arith.constant 0 : i32
        %dma_start3A_332 = tpu.memref_slice %arg3[%squeeze3A_316, %squeeze3A_318, %dma_start3A_331] : memref<125000x8x64xf32, #tpu.memory_space<hbm>> -> memref<1x1x64xf32, #tpu.memory_space<hbm>>
        tpu.enqueue_dma source(%dma_start3A_332 : memref<1x1x64xf32, #tpu.memory_space<hbm>>) target(%dma_start3A_330 : memref<1x1x64xf32, #tpu.memory_space<vmem>>) target_semaphore(%arg9 : memref<!tpu.dma_semaphore, #tpu.memory_space<semaphore_mem>>)
        %slice3A_333 = vector.extract_strided_slice %shift_right_logical3A_63 {offsets = [15], sizes = [1], strides = [1]} : vector<16xi32> to vector<1xi32>
        %squeeze3A_334 = vector.extract %slice3A_333[0] : i32 from vector<1xi32>
        %slice3A_335 = vector.extract_strided_slice %and3A_65 {offsets = [15], sizes = [1], strides = [1]} : vector<16xi32> to vector<1xi32>
        %squeeze3A_336 = vector.extract %slice3A_335[0] : i32 from vector<1xi32>
        %mul3A_337 = arith.constant 16 : i32
        %mul3A_338 = arith.muli %scan3A_56, %mul3A_337 : i32
        %add3A_339 = arith.constant 15 : i32
        %add3A_340 = arith.addi %mul3A_338, %add3A_339 : i32
        %dma_start3A_341 = arith.constant 0 : i32
        %dma_start3A_342 = tpu.memref_slice %arg7[%add3A_340, %dma_start3A_341] : memref<320x64xf32, #tpu.memory_space<vmem>> -> memref<1x64xf32, #tpu.memory_space<vmem>>
        %dma_start3A_343 = tpu.memref_reshape %dma_start3A_342 : memref<1x64xf32, #tpu.memory_space<vmem>> -> memref<1x1x64xf32, #tpu.memory_space<vmem>>
        %dma_start3A_344 = arith.constant 0 : i32
        %dma_start3A_345 = tpu.memref_slice %arg3[%squeeze3A_334, %squeeze3A_336, %dma_start3A_344] : memref<125000x8x64xf32, #tpu.memory_space<hbm>> -> memref<1x1x64xf32, #tpu.memory_space<hbm>>
        %dma_start3A_346 = arith.constant 0 : i32
        %dma_start3A_347 = tpu.memref_slice %arg7[%add3A_340, %dma_start3A_346] : memref<320x64xf32, #tpu.memory_space<vmem>> -> memref<1x64xf32, #tpu.memory_space<vmem>>
        %dma_start3A_348 = tpu.memref_reshape %dma_start3A_347 : memref<1x64xf32, #tpu.memory_space<vmem>> -> memref<1x1x64xf32, #tpu.memory_space<vmem>>
        %dma_start3A_349 = arith.constant 0 : i32
        %dma_start3A_350 = tpu.memref_slice %arg3[%squeeze3A_334, %squeeze3A_336, %dma_start3A_349] : memref<125000x8x64xf32, #tpu.memory_space<hbm>> -> memref<1x1x64xf32, #tpu.memory_space<hbm>>
        tpu.enqueue_dma source(%dma_start3A_350 : memref<1x1x64xf32, #tpu.memory_space<hbm>>) target(%dma_start3A_348 : memref<1x1x64xf32, #tpu.memory_space<vmem>>) target_semaphore(%arg9 : memref<!tpu.dma_semaphore, #tpu.memory_space<semaphore_mem>>)
      }
      %scan3A_24 = arith.constant 20 : i32
      %dma_wait3A = tpu.memref_reshape %arg6 : memref<320x64xf32, #tpu.memory_space<vmem>> -> memref<40x8x64xf32, #tpu.memory_space<vmem>>
      %dma_wait3A_25 = arith.constant 0 : i32
      %dma_wait3A_26 = arith.constant 0 : i32
      %dma_wait3A_27 = arith.constant 0 : i32
      %dma_wait3A_28 = tpu.memref_slice %arg3[%dma_wait3A_25, %dma_wait3A_26, %dma_wait3A_27] : memref<125000x8x64xf32, #tpu.memory_space<hbm>> -> memref<40x8x64xf32, #tpu.memory_space<hbm>>
      %dma_wait3A_29 = tpu.memref_reshape %arg6 : memref<320x64xf32, #tpu.memory_space<vmem>> -> memref<40x8x64xf32, #tpu.memory_space<vmem>>
      %dma_wait3A_30 = arith.constant 0 : i32
      %dma_wait3A_31 = arith.constant 0 : i32
      %dma_wait3A_32 = arith.constant 0 : i32
      %dma_wait3A_33 = tpu.memref_slice %arg3[%dma_wait3A_30, %dma_wait3A_31, %dma_wait3A_32] : memref<125000x8x64xf32, #tpu.memory_space<hbm>> -> memref<40x8x64xf32, #tpu.memory_space<hbm>>
      tpu.wait_dma2 semaphore(%arg8 : memref<!tpu.dma_semaphore, #tpu.memory_space<semaphore_mem>>) src(%dma_wait3A_33 : memref<40x8x64xf32, #tpu.memory_space<hbm>>) dst(%dma_wait3A_29 : memref<40x8x64xf32, #tpu.memory_space<vmem>>)
      %mul3A_34 = arith.constant 320 : i32
      %mul3A_35 = arith.muli %mul3A_16, %mul3A_34 : i32
      %add3A_36 = arith.addi %mul3A_2, %mul3A_35 : i32
      "tpu.region"() ({
        %run_scoped3A = tpu.sem_alloc : memref<!tpu.dma_semaphore, #tpu.memory_space<semaphore_mem>>
        %dma_start3A = arith.constant 0 : i32
        %dma_start3A_56 = tpu.memref_slice %arg4[%add3A_36, %dma_start3A] : memref<204800x64xf32, #tpu.memory_space<hbm>> -> memref<320x64xf32, #tpu.memory_space<hbm>>
        %dma_start3A_57 = arith.constant 0 : i32
        %dma_start3A_58 = tpu.memref_slice %arg4[%add3A_36, %dma_start3A_57] : memref<204800x64xf32, #tpu.memory_space<hbm>> -> memref<320x64xf32, #tpu.memory_space<hbm>>
        tpu.enqueue_dma source(%arg6 : memref<320x64xf32, #tpu.memory_space<vmem>>) target(%dma_start3A_58 : memref<320x64xf32, #tpu.memory_space<hbm>>) target_semaphore(%run_scoped3A : memref<!tpu.dma_semaphore, #tpu.memory_space<semaphore_mem>>)
        %dma_wait3A_59 = arith.constant 0 : i32
        %dma_wait3A_60 = tpu.memref_slice %arg4[%add3A_36, %dma_wait3A_59] : memref<204800x64xf32, #tpu.memory_space<hbm>> -> memref<320x64xf32, #tpu.memory_space<hbm>>
        %dma_wait3A_61 = arith.constant 0 : i32
        %dma_wait3A_62 = tpu.memref_slice %arg4[%add3A_36, %dma_wait3A_61] : memref<204800x64xf32, #tpu.memory_space<hbm>> -> memref<320x64xf32, #tpu.memory_space<hbm>>
        tpu.wait_dma2 semaphore(%run_scoped3A : memref<!tpu.dma_semaphore, #tpu.memory_space<semaphore_mem>>) src(%arg6 : memref<320x64xf32, #tpu.memory_space<vmem>>) dst(%dma_wait3A_62 : memref<320x64xf32, #tpu.memory_space<hbm>>)
        tpu.yield
      }) : () -> ()
      %add3A_37 = arith.constant 2 : i32
      %add3A_38 = arith.addi %mul3A_16, %add3A_37 : i32
      %lt3A = arith.constant 20 : i32
      %lt3A_39 = arith.cmpi slt, %add3A_38, %lt3A : i32
      %convert_element_type3A = arith.extui %lt3A_39 : i1 to i32
      %cond3A = arith.constant 0 : i32
      %cond3A_40 = arith.cmpi ne, %convert_element_type3A, %cond3A : i32
      scf.if %cond3A_40 {
        %add3A_56 = arith.constant 2 : i32
        %add3A_57 = arith.addi %mul3A_16, %add3A_56 : i32
        %scan3A_58 = arith.constant 0 : i32
        %scan3A_59 = arith.constant 0 : i32
        %scan3A_60 = arith.constant 20 : i32
        %scan3A_61 = arith.addi %scan3A_59, %scan3A_60 : i32
        %scan3A_62 = arith.constant 1 : i32
        scf.for %scan3A_64 = %scan3A_59 to %scan3A_61 step %scan3A_62  : i32 {
          %mul3A_65 = arith.constant 16 : i32
          %mul3A_66 = arith.muli %scan3A_64, %mul3A_65 : i32
          %get3A = arith.index_cast %add3A_57 : i32 to index
          %get3A_67 = arith.index_cast %mul3A_66 : i32 to index
          %get3A_68 = tpu.vector_load %arg5[%get3A, %get3A_67] {strides = array<i32>} : memref<20x320xi32, #tpu.memory_space<vmem>>, vector<1x16xi32>,
          %get3A_69 = vector.shape_cast %get3A_68 : vector<1x16xi32> to vector<16xi32>
          %shift_right_logical3A = arith.constant 3 : i32
          %shift_right_logical3A_70 = vector.broadcast %shift_right_logical3A : i32 to vector<16xi32>
          %shift_right_logical3A_71 = arith.shrui %get3A_69, %shift_right_logical3A_70 : vector<16xi32>
          %and3A = arith.constant 7 : i32
          %and3A_72 = vector.broadcast %and3A : i32 to vector<16xi32>
          %and3A_73 = arith.andi %get3A_69, %and3A_72 : vector<16xi32>
          %slice3A = vector.extract_strided_slice %shift_right_logical3A_71 {offsets = [0], sizes = [1], strides = [1]} : vector<16xi32> to vector<1xi32>
          %squeeze3A = vector.extract %slice3A[0] : i32 from vector<1xi32>
          %slice3A_74 = vector.extract_strided_slice %and3A_73 {offsets = [0], sizes = [1], strides = [1]} : vector<16xi32> to vector<1xi32>
          %squeeze3A_75 = vector.extract %slice3A_74[0] : i32 from vector<1xi32>
          %mul3A_76 = arith.constant 16 : i32
          %mul3A_77 = arith.muli %scan3A_64, %mul3A_76 : i32
          %add3A_78 = arith.constant 0 : i32
          %add3A_79 = arith.addi %mul3A_77, %add3A_78 : i32
          %dma_start3A = arith.constant 0 : i32
          %dma_start3A_80 = tpu.memref_slice %arg6[%add3A_79, %dma_start3A] : memref<320x64xf32, #tpu.memory_space<vmem>> -> memref<1x64xf32, #tpu.memory_space<vmem>>
          %dma_start3A_81 = tpu.memref_reshape %dma_start3A_80 : memref<1x64xf32, #tpu.memory_space<vmem>> -> memref<1x1x64xf32, #tpu.memory_space<vmem>>
          %dma_start3A_82 = arith.constant 0 : i32
          %dma_start3A_83 = tpu.memref_slice %arg3[%squeeze3A, %squeeze3A_75, %dma_start3A_82] : memref<125000x8x64xf32, #tpu.memory_space<hbm>> -> memref<1x1x64xf32, #tpu.memory_space<hbm>>
          %dma_start3A_84 = arith.constant 0 : i32
          %dma_start3A_85 = tpu.memref_slice %arg6[%add3A_79, %dma_start3A_84] : memref<320x64xf32, #tpu.memory_space<vmem>> -> memref<1x64xf32, #tpu.memory_space<vmem>>
          %dma_start3A_86 = tpu.memref_reshape %dma_start3A_85 : memref<1x64xf32, #tpu.memory_space<vmem>> -> memref<1x1x64xf32, #tpu.memory_space<vmem>>
          %dma_start3A_87 = arith.constant 0 : i32
          %dma_start3A_88 = tpu.memref_slice %arg3[%squeeze3A, %squeeze3A_75, %dma_start3A_87] : memref<125000x8x64xf32, #tpu.memory_space<hbm>> -> memref<1x1x64xf32, #tpu.memory_space<hbm>>
          tpu.enqueue_dma source(%dma_start3A_88 : memref<1x1x64xf32, #tpu.memory_space<hbm>>) target(%dma_start3A_86 : memref<1x1x64xf32, #tpu.memory_space<vmem>>) target_semaphore(%arg8 : memref<!tpu.dma_semaphore, #tpu.memory_space<semaphore_mem>>)
          %slice3A_89 = vector.extract_strided_slice %shift_right_logical3A_71 {offsets = [1], sizes = [1], strides = [1]} : vector<16xi32> to vector<1xi32>
          %squeeze3A_90 = vector.extract %slice3A_89[0] : i32 from vector<1xi32>
          %slice3A_91 = vector.extract_strided_slice %and3A_73 {offsets = [1], sizes = [1], strides = [1]} : vector<16xi32> to vector<1xi32>
          %squeeze3A_92 = vector.extract %slice3A_91[0] : i32 from vector<1xi32>
          %mul3A_93 = arith.constant 16 : i32
          %mul3A_94 = arith.muli %scan3A_64, %mul3A_93 : i32
          %add3A_95 = arith.constant 1 : i32
          %add3A_96 = arith.addi %mul3A_94, %add3A_95 : i32
          %dma_start3A_97 = arith.constant 0 : i32
          %dma_start3A_98 = tpu.memref_slice %arg6[%add3A_96, %dma_start3A_97] : memref<320x64xf32, #tpu.memory_space<vmem>> -> memref<1x64xf32, #tpu.memory_space<vmem>>
          %dma_start3A_99 = tpu.memref_reshape %dma_start3A_98 : memref<1x64xf32, #tpu.memory_space<vmem>> -> memref<1x1x64xf32, #tpu.memory_space<vmem>>
          %dma_start3A_100 = arith.constant 0 : i32
          %dma_start3A_101 = tpu.memref_slice %arg3[%squeeze3A_90, %squeeze3A_92, %dma_start3A_100] : memref<125000x8x64xf32, #tpu.memory_space<hbm>> -> memref<1x1x64xf32, #tpu.memory_space<hbm>>
          %dma_start3A_102 = arith.constant 0 : i32
          %dma_start3A_103 = tpu.memref_slice %arg6[%add3A_96, %dma_start3A_102] : memref<320x64xf32, #tpu.memory_space<vmem>> -> memref<1x64xf32, #tpu.memory_space<vmem>>
          %dma_start3A_104 = tpu.memref_reshape %dma_start3A_103 : memref<1x64xf32, #tpu.memory_space<vmem>> -> memref<1x1x64xf32, #tpu.memory_space<vmem>>
          %dma_start3A_105 = arith.constant 0 : i32
          %dma_start3A_106 = tpu.memref_slice %arg3[%squeeze3A_90, %squeeze3A_92, %dma_start3A_105] : memref<125000x8x64xf32, #tpu.memory_space<hbm>> -> memref<1x1x64xf32, #tpu.memory_space<hbm>>
          tpu.enqueue_dma source(%dma_start3A_106 : memref<1x1x64xf32, #tpu.memory_space<hbm>>) target(%dma_start3A_104 : memref<1x1x64xf32, #tpu.memory_space<vmem>>) target_semaphore(%arg8 : memref<!tpu.dma_semaphore, #tpu.memory_space<semaphore_mem>>)
          %slice3A_107 = vector.extract_strided_slice %shift_right_logical3A_71 {offsets = [2], sizes = [1], strides = [1]} : vector<16xi32> to vector<1xi32>
          %squeeze3A_108 = vector.extract %slice3A_107[0] : i32 from vector<1xi32>
          %slice3A_109 = vector.extract_strided_slice %and3A_73 {offsets = [2], sizes = [1], strides = [1]} : vector<16xi32> to vector<1xi32>
          %squeeze3A_110 = vector.extract %slice3A_109[0] : i32 from vector<1xi32>
          %mul3A_111 = arith.constant 16 : i32
          %mul3A_112 = arith.muli %scan3A_64, %mul3A_111 : i32
          %add3A_113 = arith.constant 2 : i32
          %add3A_114 = arith.addi %mul3A_112, %add3A_113 : i32
          %dma_start3A_115 = arith.constant 0 : i32
          %dma_start3A_116 = tpu.memref_slice %arg6[%add3A_114, %dma_start3A_115] : memref<320x64xf32, #tpu.memory_space<vmem>> -> memref<1x64xf32, #tpu.memory_space<vmem>>
          %dma_start3A_117 = tpu.memref_reshape %dma_start3A_116 : memref<1x64xf32, #tpu.memory_space<vmem>> -> memref<1x1x64xf32, #tpu.memory_space<vmem>>
          %dma_start3A_118 = arith.constant 0 : i32
          %dma_start3A_119 = tpu.memref_slice %arg3[%squeeze3A_108, %squeeze3A_110, %dma_start3A_118] : memref<125000x8x64xf32, #tpu.memory_space<hbm>> -> memref<1x1x64xf32, #tpu.memory_space<hbm>>
          %dma_start3A_120 = arith.constant 0 : i32
          %dma_start3A_121 = tpu.memref_slice %arg6[%add3A_114, %dma_start3A_120] : memref<320x64xf32, #tpu.memory_space<vmem>> -> memref<1x64xf32, #tpu.memory_space<vmem>>
          %dma_start3A_122 = tpu.memref_reshape %dma_start3A_121 : memref<1x64xf32, #tpu.memory_space<vmem>> -> memref<1x1x64xf32, #tpu.memory_space<vmem>>
          %dma_start3A_123 = arith.constant 0 : i32
          %dma_start3A_124 = tpu.memref_slice %arg3[%squeeze3A_108, %squeeze3A_110, %dma_start3A_123] : memref<125000x8x64xf32, #tpu.memory_space<hbm>> -> memref<1x1x64xf32, #tpu.memory_space<hbm>>
          tpu.enqueue_dma source(%dma_start3A_124 : memref<1x1x64xf32, #tpu.memory_space<hbm>>) target(%dma_start3A_122 : memref<1x1x64xf32, #tpu.memory_space<vmem>>) target_semaphore(%arg8 : memref<!tpu.dma_semaphore, #tpu.memory_space<semaphore_mem>>)
          %slice3A_125 = vector.extract_strided_slice %shift_right_logical3A_71 {offsets = [3], sizes = [1], strides = [1]} : vector<16xi32> to vector<1xi32>
          %squeeze3A_126 = vector.extract %slice3A_125[0] : i32 from vector<1xi32>
          %slice3A_127 = vector.extract_strided_slice %and3A_73 {offsets = [3], sizes = [1], strides = [1]} : vector<16xi32> to vector<1xi32>
          %squeeze3A_128 = vector.extract %slice3A_127[0] : i32 from vector<1xi32>
          %mul3A_129 = arith.constant 16 : i32
          %mul3A_130 = arith.muli %scan3A_64, %mul3A_129 : i32
          %add3A_131 = arith.constant 3 : i32
          %add3A_132 = arith.addi %mul3A_130, %add3A_131 : i32
          %dma_start3A_133 = arith.constant 0 : i32
          %dma_start3A_134 = tpu.memref_slice %arg6[%add3A_132, %dma_start3A_133] : memref<320x64xf32, #tpu.memory_space<vmem>> -> memref<1x64xf32, #tpu.memory_space<vmem>>
          %dma_start3A_135 = tpu.memref_reshape %dma_start3A_134 : memref<1x64xf32, #tpu.memory_space<vmem>> -> memref<1x1x64xf32, #tpu.memory_space<vmem>>
          %dma_start3A_136 = arith.constant 0 : i32
          %dma_start3A_137 = tpu.memref_slice %arg3[%squeeze3A_126, %squeeze3A_128, %dma_start3A_136] : memref<125000x8x64xf32, #tpu.memory_space<hbm>> -> memref<1x1x64xf32, #tpu.memory_space<hbm>>
          %dma_start3A_138 = arith.constant 0 : i32
          %dma_start3A_139 = tpu.memref_slice %arg6[%add3A_132, %dma_start3A_138] : memref<320x64xf32, #tpu.memory_space<vmem>> -> memref<1x64xf32, #tpu.memory_space<vmem>>
          %dma_start3A_140 = tpu.memref_reshape %dma_start3A_139 : memref<1x64xf32, #tpu.memory_space<vmem>> -> memref<1x1x64xf32, #tpu.memory_space<vmem>>
          %dma_start3A_141 = arith.constant 0 : i32
          %dma_start3A_142 = tpu.memref_slice %arg3[%squeeze3A_126, %squeeze3A_128, %dma_start3A_141] : memref<125000x8x64xf32, #tpu.memory_space<hbm>> -> memref<1x1x64xf32, #tpu.memory_space<hbm>>
          tpu.enqueue_dma source(%dma_start3A_142 : memref<1x1x64xf32, #tpu.memory_space<hbm>>) target(%dma_start3A_140 : memref<1x1x64xf32, #tpu.memory_space<vmem>>) target_semaphore(%arg8 : memref<!tpu.dma_semaphore, #tpu.memory_space<semaphore_mem>>)
          %slice3A_143 = vector.extract_strided_slice %shift_right_logical3A_71 {offsets = [4], sizes = [1], strides = [1]} : vector<16xi32> to vector<1xi32>
          %squeeze3A_144 = vector.extract %slice3A_143[0] : i32 from vector<1xi32>
          %slice3A_145 = vector.extract_strided_slice %and3A_73 {offsets = [4], sizes = [1], strides = [1]} : vector<16xi32> to vector<1xi32>
          %squeeze3A_146 = vector.extract %slice3A_145[0] : i32 from vector<1xi32>
          %mul3A_147 = arith.constant 16 : i32
          %mul3A_148 = arith.muli %scan3A_64, %mul3A_147 : i32
          %add3A_149 = arith.constant 4 : i32
          %add3A_150 = arith.addi %mul3A_148, %add3A_149 : i32
          %dma_start3A_151 = arith.constant 0 : i32
          %dma_start3A_152 = tpu.memref_slice %arg6[%add3A_150, %dma_start3A_151] : memref<320x64xf32, #tpu.memory_space<vmem>> -> memref<1x64xf32, #tpu.memory_space<vmem>>
          %dma_start3A_153 = tpu.memref_reshape %dma_start3A_152 : memref<1x64xf32, #tpu.memory_space<vmem>> -> memref<1x1x64xf32, #tpu.memory_space<vmem>>
          %dma_start3A_154 = arith.constant 0 : i32
          %dma_start3A_155 = tpu.memref_slice %arg3[%squeeze3A_144, %squeeze3A_146, %dma_start3A_154] : memref<125000x8x64xf32, #tpu.memory_space<hbm>> -> memref<1x1x64xf32, #tpu.memory_space<hbm>>
          %dma_start3A_156 = arith.constant 0 : i32
          %dma_start3A_157 = tpu.memref_slice %arg6[%add3A_150, %dma_start3A_156] : memref<320x64xf32, #tpu.memory_space<vmem>> -> memref<1x64xf32, #tpu.memory_space<vmem>>
          %dma_start3A_158 = tpu.memref_reshape %dma_start3A_157 : memref<1x64xf32, #tpu.memory_space<vmem>> -> memref<1x1x64xf32, #tpu.memory_space<vmem>>
          %dma_start3A_159 = arith.constant 0 : i32
          %dma_start3A_160 = tpu.memref_slice %arg3[%squeeze3A_144, %squeeze3A_146, %dma_start3A_159] : memref<125000x8x64xf32, #tpu.memory_space<hbm>> -> memref<1x1x64xf32, #tpu.memory_space<hbm>>
          tpu.enqueue_dma source(%dma_start3A_160 : memref<1x1x64xf32, #tpu.memory_space<hbm>>) target(%dma_start3A_158 : memref<1x1x64xf32, #tpu.memory_space<vmem>>) target_semaphore(%arg8 : memref<!tpu.dma_semaphore, #tpu.memory_space<semaphore_mem>>)
          %slice3A_161 = vector.extract_strided_slice %shift_right_logical3A_71 {offsets = [5], sizes = [1], strides = [1]} : vector<16xi32> to vector<1xi32>
          %squeeze3A_162 = vector.extract %slice3A_161[0] : i32 from vector<1xi32>
          %slice3A_163 = vector.extract_strided_slice %and3A_73 {offsets = [5], sizes = [1], strides = [1]} : vector<16xi32> to vector<1xi32>
          %squeeze3A_164 = vector.extract %slice3A_163[0] : i32 from vector<1xi32>
          %mul3A_165 = arith.constant 16 : i32
          %mul3A_166 = arith.muli %scan3A_64, %mul3A_165 : i32
          %add3A_167 = arith.constant 5 : i32
          %add3A_168 = arith.addi %mul3A_166, %add3A_167 : i32
          %dma_start3A_169 = arith.constant 0 : i32
          %dma_start3A_170 = tpu.memref_slice %arg6[%add3A_168, %dma_start3A_169] : memref<320x64xf32, #tpu.memory_space<vmem>> -> memref<1x64xf32, #tpu.memory_space<vmem>>
          %dma_start3A_171 = tpu.memref_reshape %dma_start3A_170 : memref<1x64xf32, #tpu.memory_space<vmem>> -> memref<1x1x64xf32, #tpu.memory_space<vmem>>
          %dma_start3A_172 = arith.constant 0 : i32
          %dma_start3A_173 = tpu.memref_slice %arg3[%squeeze3A_162, %squeeze3A_164, %dma_start3A_172] : memref<125000x8x64xf32, #tpu.memory_space<hbm>> -> memref<1x1x64xf32, #tpu.memory_space<hbm>>
          %dma_start3A_174 = arith.constant 0 : i32
          %dma_start3A_175 = tpu.memref_slice %arg6[%add3A_168, %dma_start3A_174] : memref<320x64xf32, #tpu.memory_space<vmem>> -> memref<1x64xf32, #tpu.memory_space<vmem>>
          %dma_start3A_176 = tpu.memref_reshape %dma_start3A_175 : memref<1x64xf32, #tpu.memory_space<vmem>> -> memref<1x1x64xf32, #tpu.memory_space<vmem>>
          %dma_start3A_177 = arith.constant 0 : i32
          %dma_start3A_178 = tpu.memref_slice %arg3[%squeeze3A_162, %squeeze3A_164, %dma_start3A_177] : memref<125000x8x64xf32, #tpu.memory_space<hbm>> -> memref<1x1x64xf32, #tpu.memory_space<hbm>>
          tpu.enqueue_dma source(%dma_start3A_178 : memref<1x1x64xf32, #tpu.memory_space<hbm>>) target(%dma_start3A_176 : memref<1x1x64xf32, #tpu.memory_space<vmem>>) target_semaphore(%arg8 : memref<!tpu.dma_semaphore, #tpu.memory_space<semaphore_mem>>)
          %slice3A_179 = vector.extract_strided_slice %shift_right_logical3A_71 {offsets = [6], sizes = [1], strides = [1]} : vector<16xi32> to vector<1xi32>
          %squeeze3A_180 = vector.extract %slice3A_179[0] : i32 from vector<1xi32>
          %slice3A_181 = vector.extract_strided_slice %and3A_73 {offsets = [6], sizes = [1], strides = [1]} : vector<16xi32> to vector<1xi32>
          %squeeze3A_182 = vector.extract %slice3A_181[0] : i32 from vector<1xi32>
          %mul3A_183 = arith.constant 16 : i32
          %mul3A_184 = arith.muli %scan3A_64, %mul3A_183 : i32
          %add3A_185 = arith.constant 6 : i32
          %add3A_186 = arith.addi %mul3A_184, %add3A_185 : i32
          %dma_start3A_187 = arith.constant 0 : i32
          %dma_start3A_188 = tpu.memref_slice %arg6[%add3A_186, %dma_start3A_187] : memref<320x64xf32, #tpu.memory_space<vmem>> -> memref<1x64xf32, #tpu.memory_space<vmem>>
          %dma_start3A_189 = tpu.memref_reshape %dma_start3A_188 : memref<1x64xf32, #tpu.memory_space<vmem>> -> memref<1x1x64xf32, #tpu.memory_space<vmem>>
          %dma_start3A_190 = arith.constant 0 : i32
          %dma_start3A_191 = tpu.memref_slice %arg3[%squeeze3A_180, %squeeze3A_182, %dma_start3A_190] : memref<125000x8x64xf32, #tpu.memory_space<hbm>> -> memref<1x1x64xf32, #tpu.memory_space<hbm>>
          %dma_start3A_192 = arith.constant 0 : i32
          %dma_start3A_193 = tpu.memref_slice %arg6[%add3A_186, %dma_start3A_192] : memref<320x64xf32, #tpu.memory_space<vmem>> -> memref<1x64xf32, #tpu.memory_space<vmem>>
          %dma_start3A_194 = tpu.memref_reshape %dma_start3A_193 : memref<1x64xf32, #tpu.memory_space<vmem>> -> memref<1x1x64xf32, #tpu.memory_space<vmem>>
          %dma_start3A_195 = arith.constant 0 : i32
          %dma_start3A_196 = tpu.memref_slice %arg3[%squeeze3A_180, %squeeze3A_182, %dma_start3A_195] : memref<125000x8x64xf32, #tpu.memory_space<hbm>> -> memref<1x1x64xf32, #tpu.memory_space<hbm>>
          tpu.enqueue_dma source(%dma_start3A_196 : memref<1x1x64xf32, #tpu.memory_space<hbm>>) target(%dma_start3A_194 : memref<1x1x64xf32, #tpu.memory_space<vmem>>) target_semaphore(%arg8 : memref<!tpu.dma_semaphore, #tpu.memory_space<semaphore_mem>>)
          %slice3A_197 = vector.extract_strided_slice %shift_right_logical3A_71 {offsets = [7], sizes = [1], strides = [1]} : vector<16xi32> to vector<1xi32>
          %squeeze3A_198 = vector.extract %slice3A_197[0] : i32 from vector<1xi32>
          %slice3A_199 = vector.extract_strided_slice %and3A_73 {offsets = [7], sizes = [1], strides = [1]} : vector<16xi32> to vector<1xi32>
          %squeeze3A_200 = vector.extract %slice3A_199[0] : i32 from vector<1xi32>
          %mul3A_201 = arith.constant 16 : i32
          %mul3A_202 = arith.muli %scan3A_64, %mul3A_201 : i32
          %add3A_203 = arith.constant 7 : i32
          %add3A_204 = arith.addi %mul3A_202, %add3A_203 : i32
          %dma_start3A_205 = arith.constant 0 : i32
          %dma_start3A_206 = tpu.memref_slice %arg6[%add3A_204, %dma_start3A_205] : memref<320x64xf32, #tpu.memory_space<vmem>> -> memref<1x64xf32, #tpu.memory_space<vmem>>
          %dma_start3A_207 = tpu.memref_reshape %dma_start3A_206 : memref<1x64xf32, #tpu.memory_space<vmem>> -> memref<1x1x64xf32, #tpu.memory_space<vmem>>
          %dma_start3A_208 = arith.constant 0 : i32
          %dma_start3A_209 = tpu.memref_slice %arg3[%squeeze3A_198, %squeeze3A_200, %dma_start3A_208] : memref<125000x8x64xf32, #tpu.memory_space<hbm>> -> memref<1x1x64xf32, #tpu.memory_space<hbm>>
          %dma_start3A_210 = arith.constant 0 : i32
          %dma_start3A_211 = tpu.memref_slice %arg6[%add3A_204, %dma_start3A_210] : memref<320x64xf32, #tpu.memory_space<vmem>> -> memref<1x64xf32, #tpu.memory_space<vmem>>
          %dma_start3A_212 = tpu.memref_reshape %dma_start3A_211 : memref<1x64xf32, #tpu.memory_space<vmem>> -> memref<1x1x64xf32, #tpu.memory_space<vmem>>
          %dma_start3A_213 = arith.constant 0 : i32
          %dma_start3A_214 = tpu.memref_slice %arg3[%squeeze3A_198, %squeeze3A_200, %dma_start3A_213] : memref<125000x8x64xf32, #tpu.memory_space<hbm>> -> memref<1x1x64xf32, #tpu.memory_space<hbm>>
          tpu.enqueue_dma source(%dma_start3A_214 : memref<1x1x64xf32, #tpu.memory_space<hbm>>) target(%dma_start3A_212 : memref<1x1x64xf32, #tpu.memory_space<vmem>>) target_semaphore(%arg8 : memref<!tpu.dma_semaphore, #tpu.memory_space<semaphore_mem>>)
          %slice3A_215 = vector.extract_strided_slice %shift_right_logical3A_71 {offsets = [8], sizes = [1], strides = [1]} : vector<16xi32> to vector<1xi32>
          %squeeze3A_216 = vector.extract %slice3A_215[0] : i32 from vector<1xi32>
          %slice3A_217 = vector.extract_strided_slice %and3A_73 {offsets = [8], sizes = [1], strides = [1]} : vector<16xi32> to vector<1xi32>
          %squeeze3A_218 = vector.extract %slice3A_217[0] : i32 from vector<1xi32>
          %mul3A_219 = arith.constant 16 : i32
          %mul3A_220 = arith.muli %scan3A_64, %mul3A_219 : i32
          %add3A_221 = arith.constant 8 : i32
          %add3A_222 = arith.addi %mul3A_220, %add3A_221 : i32
          %dma_start3A_223 = arith.constant 0 : i32
          %dma_start3A_224 = tpu.memref_slice %arg6[%add3A_222, %dma_start3A_223] : memref<320x64xf32, #tpu.memory_space<vmem>> -> memref<1x64xf32, #tpu.memory_space<vmem>>
          %dma_start3A_225 = tpu.memref_reshape %dma_start3A_224 : memref<1x64xf32, #tpu.memory_space<vmem>> -> memref<1x1x64xf32, #tpu.memory_space<vmem>>
          %dma_start3A_226 = arith.constant 0 : i32
          %dma_start3A_227 = tpu.memref_slice %arg3[%squeeze3A_216, %squeeze3A_218, %dma_start3A_226] : memref<125000x8x64xf32, #tpu.memory_space<hbm>> -> memref<1x1x64xf32, #tpu.memory_space<hbm>>
          %dma_start3A_228 = arith.constant 0 : i32
          %dma_start3A_229 = tpu.memref_slice %arg6[%add3A_222, %dma_start3A_228] : memref<320x64xf32, #tpu.memory_space<vmem>> -> memref<1x64xf32, #tpu.memory_space<vmem>>
          %dma_start3A_230 = tpu.memref_reshape %dma_start3A_229 : memref<1x64xf32, #tpu.memory_space<vmem>> -> memref<1x1x64xf32, #tpu.memory_space<vmem>>
          %dma_start3A_231 = arith.constant 0 : i32
          %dma_start3A_232 = tpu.memref_slice %arg3[%squeeze3A_216, %squeeze3A_218, %dma_start3A_231] : memref<125000x8x64xf32, #tpu.memory_space<hbm>> -> memref<1x1x64xf32, #tpu.memory_space<hbm>>
          tpu.enqueue_dma source(%dma_start3A_232 : memref<1x1x64xf32, #tpu.memory_space<hbm>>) target(%dma_start3A_230 : memref<1x1x64xf32, #tpu.memory_space<vmem>>) target_semaphore(%arg8 : memref<!tpu.dma_semaphore, #tpu.memory_space<semaphore_mem>>)
          %slice3A_233 = vector.extract_strided_slice %shift_right_logical3A_71 {offsets = [9], sizes = [1], strides = [1]} : vector<16xi32> to vector<1xi32>
          %squeeze3A_234 = vector.extract %slice3A_233[0] : i32 from vector<1xi32>
          %slice3A_235 = vector.extract_strided_slice %and3A_73 {offsets = [9], sizes = [1], strides = [1]} : vector<16xi32> to vector<1xi32>
          %squeeze3A_236 = vector.extract %slice3A_235[0] : i32 from vector<1xi32>
          %mul3A_237 = arith.constant 16 : i32
          %mul3A_238 = arith.muli %scan3A_64, %mul3A_237 : i32
          %add3A_239 = arith.constant 9 : i32
          %add3A_240 = arith.addi %mul3A_238, %add3A_239 : i32
          %dma_start3A_241 = arith.constant 0 : i32
          %dma_start3A_242 = tpu.memref_slice %arg6[%add3A_240, %dma_start3A_241] : memref<320x64xf32, #tpu.memory_space<vmem>> -> memref<1x64xf32, #tpu.memory_space<vmem>>
          %dma_start3A_243 = tpu.memref_reshape %dma_start3A_242 : memref<1x64xf32, #tpu.memory_space<vmem>> -> memref<1x1x64xf32, #tpu.memory_space<vmem>>
          %dma_start3A_244 = arith.constant 0 : i32
          %dma_start3A_245 = tpu.memref_slice %arg3[%squeeze3A_234, %squeeze3A_236, %dma_start3A_244] : memref<125000x8x64xf32, #tpu.memory_space<hbm>> -> memref<1x1x64xf32, #tpu.memory_space<hbm>>
          %dma_start3A_246 = arith.constant 0 : i32
          %dma_start3A_247 = tpu.memref_slice %arg6[%add3A_240, %dma_start3A_246] : memref<320x64xf32, #tpu.memory_space<vmem>> -> memref<1x64xf32, #tpu.memory_space<vmem>>
          %dma_start3A_248 = tpu.memref_reshape %dma_start3A_247 : memref<1x64xf32, #tpu.memory_space<vmem>> -> memref<1x1x64xf32, #tpu.memory_space<vmem>>
          %dma_start3A_249 = arith.constant 0 : i32
          %dma_start3A_250 = tpu.memref_slice %arg3[%squeeze3A_234, %squeeze3A_236, %dma_start3A_249] : memref<125000x8x64xf32, #tpu.memory_space<hbm>> -> memref<1x1x64xf32, #tpu.memory_space<hbm>>
          tpu.enqueue_dma source(%dma_start3A_250 : memref<1x1x64xf32, #tpu.memory_space<hbm>>) target(%dma_start3A_248 : memref<1x1x64xf32, #tpu.memory_space<vmem>>) target_semaphore(%arg8 : memref<!tpu.dma_semaphore, #tpu.memory_space<semaphore_mem>>)
          %slice3A_251 = vector.extract_strided_slice %shift_right_logical3A_71 {offsets = [10], sizes = [1], strides = [1]} : vector<16xi32> to vector<1xi32>
          %squeeze3A_252 = vector.extract %slice3A_251[0] : i32 from vector<1xi32>
          %slice3A_253 = vector.extract_strided_slice %and3A_73 {offsets = [10], sizes = [1], strides = [1]} : vector<16xi32> to vector<1xi32>
          %squeeze3A_254 = vector.extract %slice3A_253[0] : i32 from vector<1xi32>
          %mul3A_255 = arith.constant 16 : i32
          %mul3A_256 = arith.muli %scan3A_64, %mul3A_255 : i32
          %add3A_257 = arith.constant 10 : i32
          %add3A_258 = arith.addi %mul3A_256, %add3A_257 : i32
          %dma_start3A_259 = arith.constant 0 : i32
          %dma_start3A_260 = tpu.memref_slice %arg6[%add3A_258, %dma_start3A_259] : memref<320x64xf32, #tpu.memory_space<vmem>> -> memref<1x64xf32, #tpu.memory_space<vmem>>
          %dma_start3A_261 = tpu.memref_reshape %dma_start3A_260 : memref<1x64xf32, #tpu.memory_space<vmem>> -> memref<1x1x64xf32, #tpu.memory_space<vmem>>
          %dma_start3A_262 = arith.constant 0 : i32
          %dma_start3A_263 = tpu.memref_slice %arg3[%squeeze3A_252, %squeeze3A_254, %dma_start3A_262] : memref<125000x8x64xf32, #tpu.memory_space<hbm>> -> memref<1x1x64xf32, #tpu.memory_space<hbm>>
          %dma_start3A_264 = arith.constant 0 : i32
          %dma_start3A_265 = tpu.memref_slice %arg6[%add3A_258, %dma_start3A_264] : memref<320x64xf32, #tpu.memory_space<vmem>> -> memref<1x64xf32, #tpu.memory_space<vmem>>
          %dma_start3A_266 = tpu.memref_reshape %dma_start3A_265 : memref<1x64xf32, #tpu.memory_space<vmem>> -> memref<1x1x64xf32, #tpu.memory_space<vmem>>
          %dma_start3A_267 = arith.constant 0 : i32
          %dma_start3A_268 = tpu.memref_slice %arg3[%squeeze3A_252, %squeeze3A_254, %dma_start3A_267] : memref<125000x8x64xf32, #tpu.memory_space<hbm>> -> memref<1x1x64xf32, #tpu.memory_space<hbm>>
          tpu.enqueue_dma source(%dma_start3A_268 : memref<1x1x64xf32, #tpu.memory_space<hbm>>) target(%dma_start3A_266 : memref<1x1x64xf32, #tpu.memory_space<vmem>>) target_semaphore(%arg8 : memref<!tpu.dma_semaphore, #tpu.memory_space<semaphore_mem>>)
          %slice3A_269 = vector.extract_strided_slice %shift_right_logical3A_71 {offsets = [11], sizes = [1], strides = [1]} : vector<16xi32> to vector<1xi32>
          %squeeze3A_270 = vector.extract %slice3A_269[0] : i32 from vector<1xi32>
          %slice3A_271 = vector.extract_strided_slice %and3A_73 {offsets = [11], sizes = [1], strides = [1]} : vector<16xi32> to vector<1xi32>
          %squeeze3A_272 = vector.extract %slice3A_271[0] : i32 from vector<1xi32>
          %mul3A_273 = arith.constant 16 : i32
          %mul3A_274 = arith.muli %scan3A_64, %mul3A_273 : i32
          %add3A_275 = arith.constant 11 : i32
          %add3A_276 = arith.addi %mul3A_274, %add3A_275 : i32
          %dma_start3A_277 = arith.constant 0 : i32
          %dma_start3A_278 = tpu.memref_slice %arg6[%add3A_276, %dma_start3A_277] : memref<320x64xf32, #tpu.memory_space<vmem>> -> memref<1x64xf32, #tpu.memory_space<vmem>>
          %dma_start3A_279 = tpu.memref_reshape %dma_start3A_278 : memref<1x64xf32, #tpu.memory_space<vmem>> -> memref<1x1x64xf32, #tpu.memory_space<vmem>>
          %dma_start3A_280 = arith.constant 0 : i32
          %dma_start3A_281 = tpu.memref_slice %arg3[%squeeze3A_270, %squeeze3A_272, %dma_start3A_280] : memref<125000x8x64xf32, #tpu.memory_space<hbm>> -> memref<1x1x64xf32, #tpu.memory_space<hbm>>
          %dma_start3A_282 = arith.constant 0 : i32
          %dma_start3A_283 = tpu.memref_slice %arg6[%add3A_276, %dma_start3A_282] : memref<320x64xf32, #tpu.memory_space<vmem>> -> memref<1x64xf32, #tpu.memory_space<vmem>>
          %dma_start3A_284 = tpu.memref_reshape %dma_start3A_283 : memref<1x64xf32, #tpu.memory_space<vmem>> -> memref<1x1x64xf32, #tpu.memory_space<vmem>>
          %dma_start3A_285 = arith.constant 0 : i32
          %dma_start3A_286 = tpu.memref_slice %arg3[%squeeze3A_270, %squeeze3A_272, %dma_start3A_285] : memref<125000x8x64xf32, #tpu.memory_space<hbm>> -> memref<1x1x64xf32, #tpu.memory_space<hbm>>
          tpu.enqueue_dma source(%dma_start3A_286 : memref<1x1x64xf32, #tpu.memory_space<hbm>>) target(%dma_start3A_284 : memref<1x1x64xf32, #tpu.memory_space<vmem>>) target_semaphore(%arg8 : memref<!tpu.dma_semaphore, #tpu.memory_space<semaphore_mem>>)
          %slice3A_287 = vector.extract_strided_slice %shift_right_logical3A_71 {offsets = [12], sizes = [1], strides = [1]} : vector<16xi32> to vector<1xi32>
          %squeeze3A_288 = vector.extract %slice3A_287[0] : i32 from vector<1xi32>
          %slice3A_289 = vector.extract_strided_slice %and3A_73 {offsets = [12], sizes = [1], strides = [1]} : vector<16xi32> to vector<1xi32>
          %squeeze3A_290 = vector.extract %slice3A_289[0] : i32 from vector<1xi32>
          %mul3A_291 = arith.constant 16 : i32
          %mul3A_292 = arith.muli %scan3A_64, %mul3A_291 : i32
          %add3A_293 = arith.constant 12 : i32
          %add3A_294 = arith.addi %mul3A_292, %add3A_293 : i32
          %dma_start3A_295 = arith.constant 0 : i32
          %dma_start3A_296 = tpu.memref_slice %arg6[%add3A_294, %dma_start3A_295] : memref<320x64xf32, #tpu.memory_space<vmem>> -> memref<1x64xf32, #tpu.memory_space<vmem>>
          %dma_start3A_297 = tpu.memref_reshape %dma_start3A_296 : memref<1x64xf32, #tpu.memory_space<vmem>> -> memref<1x1x64xf32, #tpu.memory_space<vmem>>
          %dma_start3A_298 = arith.constant 0 : i32
          %dma_start3A_299 = tpu.memref_slice %arg3[%squeeze3A_288, %squeeze3A_290, %dma_start3A_298] : memref<125000x8x64xf32, #tpu.memory_space<hbm>> -> memref<1x1x64xf32, #tpu.memory_space<hbm>>
          %dma_start3A_300 = arith.constant 0 : i32
          %dma_start3A_301 = tpu.memref_slice %arg6[%add3A_294, %dma_start3A_300] : memref<320x64xf32, #tpu.memory_space<vmem>> -> memref<1x64xf32, #tpu.memory_space<vmem>>
          %dma_start3A_302 = tpu.memref_reshape %dma_start3A_301 : memref<1x64xf32, #tpu.memory_space<vmem>> -> memref<1x1x64xf32, #tpu.memory_space<vmem>>
          %dma_start3A_303 = arith.constant 0 : i32
          %dma_start3A_304 = tpu.memref_slice %arg3[%squeeze3A_288, %squeeze3A_290, %dma_start3A_303] : memref<125000x8x64xf32, #tpu.memory_space<hbm>> -> memref<1x1x64xf32, #tpu.memory_space<hbm>>
          tpu.enqueue_dma source(%dma_start3A_304 : memref<1x1x64xf32, #tpu.memory_space<hbm>>) target(%dma_start3A_302 : memref<1x1x64xf32, #tpu.memory_space<vmem>>) target_semaphore(%arg8 : memref<!tpu.dma_semaphore, #tpu.memory_space<semaphore_mem>>)
          %slice3A_305 = vector.extract_strided_slice %shift_right_logical3A_71 {offsets = [13], sizes = [1], strides = [1]} : vector<16xi32> to vector<1xi32>
          %squeeze3A_306 = vector.extract %slice3A_305[0] : i32 from vector<1xi32>
          %slice3A_307 = vector.extract_strided_slice %and3A_73 {offsets = [13], sizes = [1], strides = [1]} : vector<16xi32> to vector<1xi32>
          %squeeze3A_308 = vector.extract %slice3A_307[0] : i32 from vector<1xi32>
          %mul3A_309 = arith.constant 16 : i32
          %mul3A_310 = arith.muli %scan3A_64, %mul3A_309 : i32
          %add3A_311 = arith.constant 13 : i32
          %add3A_312 = arith.addi %mul3A_310, %add3A_311 : i32
          %dma_start3A_313 = arith.constant 0 : i32
          %dma_start3A_314 = tpu.memref_slice %arg6[%add3A_312, %dma_start3A_313] : memref<320x64xf32, #tpu.memory_space<vmem>> -> memref<1x64xf32, #tpu.memory_space<vmem>>
          %dma_start3A_315 = tpu.memref_reshape %dma_start3A_314 : memref<1x64xf32, #tpu.memory_space<vmem>> -> memref<1x1x64xf32, #tpu.memory_space<vmem>>
          %dma_start3A_316 = arith.constant 0 : i32
          %dma_start3A_317 = tpu.memref_slice %arg3[%squeeze3A_306, %squeeze3A_308, %dma_start3A_316] : memref<125000x8x64xf32, #tpu.memory_space<hbm>> -> memref<1x1x64xf32, #tpu.memory_space<hbm>>
          %dma_start3A_318 = arith.constant 0 : i32
          %dma_start3A_319 = tpu.memref_slice %arg6[%add3A_312, %dma_start3A_318] : memref<320x64xf32, #tpu.memory_space<vmem>> -> memref<1x64xf32, #tpu.memory_space<vmem>>
          %dma_start3A_320 = tpu.memref_reshape %dma_start3A_319 : memref<1x64xf32, #tpu.memory_space<vmem>> -> memref<1x1x64xf32, #tpu.memory_space<vmem>>
          %dma_start3A_321 = arith.constant 0 : i32
          %dma_start3A_322 = tpu.memref_slice %arg3[%squeeze3A_306, %squeeze3A_308, %dma_start3A_321] : memref<125000x8x64xf32, #tpu.memory_space<hbm>> -> memref<1x1x64xf32, #tpu.memory_space<hbm>>
          tpu.enqueue_dma source(%dma_start3A_322 : memref<1x1x64xf32, #tpu.memory_space<hbm>>) target(%dma_start3A_320 : memref<1x1x64xf32, #tpu.memory_space<vmem>>) target_semaphore(%arg8 : memref<!tpu.dma_semaphore, #tpu.memory_space<semaphore_mem>>)
          %slice3A_323 = vector.extract_strided_slice %shift_right_logical3A_71 {offsets = [14], sizes = [1], strides = [1]} : vector<16xi32> to vector<1xi32>
          %squeeze3A_324 = vector.extract %slice3A_323[0] : i32 from vector<1xi32>
          %slice3A_325 = vector.extract_strided_slice %and3A_73 {offsets = [14], sizes = [1], strides = [1]} : vector<16xi32> to vector<1xi32>
          %squeeze3A_326 = vector.extract %slice3A_325[0] : i32 from vector<1xi32>
          %mul3A_327 = arith.constant 16 : i32
          %mul3A_328 = arith.muli %scan3A_64, %mul3A_327 : i32
          %add3A_329 = arith.constant 14 : i32
          %add3A_330 = arith.addi %mul3A_328, %add3A_329 : i32
          %dma_start3A_331 = arith.constant 0 : i32
          %dma_start3A_332 = tpu.memref_slice %arg6[%add3A_330, %dma_start3A_331] : memref<320x64xf32, #tpu.memory_space<vmem>> -> memref<1x64xf32, #tpu.memory_space<vmem>>
          %dma_start3A_333 = tpu.memref_reshape %dma_start3A_332 : memref<1x64xf32, #tpu.memory_space<vmem>> -> memref<1x1x64xf32, #tpu.memory_space<vmem>>
          %dma_start3A_334 = arith.constant 0 : i32
          %dma_start3A_335 = tpu.memref_slice %arg3[%squeeze3A_324, %squeeze3A_326, %dma_start3A_334] : memref<125000x8x64xf32, #tpu.memory_space<hbm>> -> memref<1x1x64xf32, #tpu.memory_space<hbm>>
          %dma_start3A_336 = arith.constant 0 : i32
          %dma_start3A_337 = tpu.memref_slice %arg6[%add3A_330, %dma_start3A_336] : memref<320x64xf32, #tpu.memory_space<vmem>> -> memref<1x64xf32, #tpu.memory_space<vmem>>
          %dma_start3A_338 = tpu.memref_reshape %dma_start3A_337 : memref<1x64xf32, #tpu.memory_space<vmem>> -> memref<1x1x64xf32, #tpu.memory_space<vmem>>
          %dma_start3A_339 = arith.constant 0 : i32
          %dma_start3A_340 = tpu.memref_slice %arg3[%squeeze3A_324, %squeeze3A_326, %dma_start3A_339] : memref<125000x8x64xf32, #tpu.memory_space<hbm>> -> memref<1x1x64xf32, #tpu.memory_space<hbm>>
          tpu.enqueue_dma source(%dma_start3A_340 : memref<1x1x64xf32, #tpu.memory_space<hbm>>) target(%dma_start3A_338 : memref<1x1x64xf32, #tpu.memory_space<vmem>>) target_semaphore(%arg8 : memref<!tpu.dma_semaphore, #tpu.memory_space<semaphore_mem>>)
          %slice3A_341 = vector.extract_strided_slice %shift_right_logical3A_71 {offsets = [15], sizes = [1], strides = [1]} : vector<16xi32> to vector<1xi32>
          %squeeze3A_342 = vector.extract %slice3A_341[0] : i32 from vector<1xi32>
          %slice3A_343 = vector.extract_strided_slice %and3A_73 {offsets = [15], sizes = [1], strides = [1]} : vector<16xi32> to vector<1xi32>
          %squeeze3A_344 = vector.extract %slice3A_343[0] : i32 from vector<1xi32>
          %mul3A_345 = arith.constant 16 : i32
          %mul3A_346 = arith.muli %scan3A_64, %mul3A_345 : i32
          %add3A_347 = arith.constant 15 : i32
          %add3A_348 = arith.addi %mul3A_346, %add3A_347 : i32
          %dma_start3A_349 = arith.constant 0 : i32
          %dma_start3A_350 = tpu.memref_slice %arg6[%add3A_348, %dma_start3A_349] : memref<320x64xf32, #tpu.memory_space<vmem>> -> memref<1x64xf32, #tpu.memory_space<vmem>>
          %dma_start3A_351 = tpu.memref_reshape %dma_start3A_350 : memref<1x64xf32, #tpu.memory_space<vmem>> -> memref<1x1x64xf32, #tpu.memory_space<vmem>>
          %dma_start3A_352 = arith.constant 0 : i32
          %dma_start3A_353 = tpu.memref_slice %arg3[%squeeze3A_342, %squeeze3A_344, %dma_start3A_352] : memref<125000x8x64xf32, #tpu.memory_space<hbm>> -> memref<1x1x64xf32, #tpu.memory_space<hbm>>
          %dma_start3A_354 = arith.constant 0 : i32
          %dma_start3A_355 = tpu.memref_slice %arg6[%add3A_348, %dma_start3A_354] : memref<320x64xf32, #tpu.memory_space<vmem>> -> memref<1x64xf32, #tpu.memory_space<vmem>>
          %dma_start3A_356 = tpu.memref_reshape %dma_start3A_355 : memref<1x64xf32, #tpu.memory_space<vmem>> -> memref<1x1x64xf32, #tpu.memory_space<vmem>>
          %dma_start3A_357 = arith.constant 0 : i32
          %dma_start3A_358 = tpu.memref_slice %arg3[%squeeze3A_342, %squeeze3A_344, %dma_start3A_357] : memref<125000x8x64xf32, #tpu.memory_space<hbm>> -> memref<1x1x64xf32, #tpu.memory_space<hbm>>
          tpu.enqueue_dma source(%dma_start3A_358 : memref<1x1x64xf32, #tpu.memory_space<hbm>>) target(%dma_start3A_356 : memref<1x1x64xf32, #tpu.memory_space<vmem>>) target_semaphore(%arg8 : memref<!tpu.dma_semaphore, #tpu.memory_space<semaphore_mem>>)
        }
        %scan3A_63 = arith.constant 20 : i32
      } else {
      }
      %dma_wait3A_41 = tpu.memref_reshape %arg7 : memref<320x64xf32, #tpu.memory_space<vmem>> -> memref<40x8x64xf32, #tpu.memory_space<vmem>>
      %dma_wait3A_42 = arith.constant 0 : i32
      %dma_wait3A_43 = arith.constant 0 : i32
      %dma_wait3A_44 = arith.constant 0 : i32
      %dma_wait3A_45 = tpu.memref_slice %arg3[%dma_wait3A_42, %dma_wait3A_43, %dma_wait3A_44] : memref<125000x8x64xf32, #tpu.memory_space<hbm>> -> memref<40x8x64xf32, #tpu.memory_space<hbm>>
      %dma_wait3A_46 = tpu.memref_reshape %arg7 : memref<320x64xf32, #tpu.memory_space<vmem>> -> memref<40x8x64xf32, #tpu.memory_space<vmem>>
      %dma_wait3A_47 = arith.constant 0 : i32
      %dma_wait3A_48 = arith.constant 0 : i32
      %dma_wait3A_49 = arith.constant 0 : i32
      %dma_wait3A_50 = tpu.memref_slice %arg3[%dma_wait3A_47, %dma_wait3A_48, %dma_wait3A_49] : memref<125000x8x64xf32, #tpu.memory_space<hbm>> -> memref<40x8x64xf32, #tpu.memory_space<hbm>>
      tpu.wait_dma2 semaphore(%arg9 : memref<!tpu.dma_semaphore, #tpu.memory_space<semaphore_mem>>) src(%dma_wait3A_50 : memref<40x8x64xf32, #tpu.memory_space<hbm>>) dst(%dma_wait3A_46 : memref<40x8x64xf32, #tpu.memory_space<vmem>>)
      %add3A_51 = arith.constant 1 : i32
      %add3A_52 = arith.addi %mul3A_16, %add3A_51 : i32
      %mul3A_53 = arith.constant 320 : i32
      %mul3A_54 = arith.muli %add3A_52, %mul3A_53 : i32
      %add3A_55 = arith.addi %mul3A_2, %mul3A_54 : i32
      "tpu.region"() ({
        %run_scoped3A = tpu.sem_alloc : memref<!tpu.dma_semaphore, #tpu.memory_space<semaphore_mem>>
        %dma_start3A = arith.constant 0 : i32
        %dma_start3A_56 = tpu.memref_slice %arg4[%add3A_55, %dma_start3A] : memref<204800x64xf32, #tpu.memory_space<hbm>> -> memref<320x64xf32, #tpu.memory_space<hbm>>
        %dma_start3A_57 = arith.constant 0 : i32
        %dma_start3A_58 = tpu.memref_slice %arg4[%add3A_55, %dma_start3A_57] : memref<204800x64xf32, #tpu.memory_space<hbm>> -> memref<320x64xf32, #tpu.memory_space<hbm>>
        tpu.enqueue_dma source(%arg7 : memref<320x64xf32, #tpu.memory_space<vmem>>) target(%dma_start3A_58 : memref<320x64xf32, #tpu.memory_space<hbm>>) target_semaphore(%run_scoped3A : memref<!tpu.dma_semaphore, #tpu.memory_space<semaphore_mem>>)
        %dma_wait3A_59 = arith.constant 0 : i32
        %dma_wait3A_60 = tpu.memref_slice %arg4[%add3A_55, %dma_wait3A_59] : memref<204800x64xf32, #tpu.memory_space<hbm>> -> memref<320x64xf32, #tpu.memory_space<hbm>>
        %dma_wait3A_61 = arith.constant 0 : i32
        %dma_wait3A_62 = tpu.memref_slice %arg4[%add3A_55, %dma_wait3A_61] : memref<204800x64xf32, #tpu.memory_space<hbm>> -> memref<320x64xf32, #tpu.memory_space<hbm>>
        tpu.wait_dma2 semaphore(%run_scoped3A : memref<!tpu.dma_semaphore, #tpu.memory_space<semaphore_mem>>) src(%arg7 : memref<320x64xf32, #tpu.memory_space<vmem>>) dst(%dma_wait3A_62 : memref<320x64xf32, #tpu.memory_space<hbm>>)
        tpu.yield
      }) : () -> ()
    }
    %scan3A_13 = arith.constant 10 : i32
    return
  }
}

</mosaic_0001>

<sc_bundles>
// kernel: kernel.3.cloned.1.call-start
scs
__scs_entry_jumppad:
0x0: {  	(pc) =	sbr.rel $0x88, $3  }
0x1: {  	(tag) =	ssettag $0x0;
	lr =	simm.s32 $0x1  }
0x2: {  	[smem:$0x3F9F] =	sst lr;
	_ =	strace $0xD0000000  }
0x3: {  	_ = 	snop  }
0x4: {  	_ = 	snop  }
0x5: {  	_ = 	snop  }
0x6: {  	_ = 	snop  }
0x7: {  	_ = 	snop  }
__scs_overlays_trampoline_lowered:
0x8: {  	[smem:$0x3FAE] =	sst s0  }
0x9: {  	[smem:$0x3FAF] =	sst s1  }
0xa: {  	[smem:$0x3FB0] =	sst s2  }
0xb: {  	[smem:$0x3FB1] =	sst s3  }
0xc: {  	[smem:$0x3FB2] =	sst s4  }
0xd: {  	[smem:$0x3FB3] =	sst s5  }
0xe: {  	[smem:$0x3FB4] =	sst s6  }
0xf: {  	[smem:$0x3FB5] =	sst s7  }
0x10: {  	[smem:$0x3FB6] =	sst s8  }
0x11: {  	[smem:$0x3FB7] =	sst s9;
	s0 =	simm.s32 @!p0 $0x0  }
0x12: {  	s1 =	sld [smem:$0x3F9D];
	s0 =	simm.s32 @p0 $0x1  }
0x13: {  	[smem:$0x3FB8] =	sst s0;
	s0 =	simm.s32 @!p1 $0x0  }
0x14: {  	s2 =	sld [smem:$0x3F9C];
	s0 =	simm.s32 @p1 $0x1  }
0x15: {  	[smem:$0x3FB9] =	sst s0;
	s0 =	simm.s32 @!p2 $0x0  }
0x16: {  	s3 =	sld [smem:$0x3FDB];
	s0 =	simm.s32 @p2 $0x1  }
0x17: {  	s4 =	simm.s32 $0x1BF5;
	[smem:$0x3FBB] =	sst s0  }
0x18: {  	s0 =	sld [smem:$0x3F9E];
	_ =	swait.ge [sflag:s4], $0x0  }
0x19: {  	s7 =	sld [smem:$0x3F9F]  }
0x1a: {  	s8 =	sadd.s32 $0xFFFFE003, lr  }
0x1b: {  	s9 =	sadd.s32 $0xFFFFFEF7, lr;
	s5 =	simm.s32 $0xFFFFFFFF;
	p2 =	slt.u32 s8, $0xFFFFF086  }
0x1c: {  	p1 =	slt.u32 s9, $0xF7A;
	s5 =	simm.s32 @!p2 $0x0  }
0x1d: {  	s5 =	simm.s32 @p1 $0x1;
	p0 =	seq.s32 s7, s2  }
0x1e: {  	s7 =	smul.u32 @!p0 $0xF7A, s2;
	p2 =	seq.s32 @!p0 s5, $0x0  }
0x1f: {  	s9 =	smul.u32 $0xF7A, s1;
	s8 =	simm.s32 @!p0 $0x1BF5;
	p2 =	por !p2, p0  }
0x20: {  	[sflag:s8] =	ssyncset.s32 @!p0 $0xFFFFF086;
	s6 =	sadd.s32 @!p0 s3, s7;
	s7 =	simm.s32 @!p0 $0x108  }
0x21: {  	s3 =	sadd.s32 s3, s9;
	s6 =	sadd.s32 @!p0 $0x88, s6;
	s7 =	simm.s32 @p2 $0x1082  }
0x22: {  	[simem:s7], [sflag:s8] =	dma.local @!p0 [hbm:s6], $0xF7A  }
0x23: {  	s9 =	sor.u32 $0xD0000000, s2;
	s6 =	simm.s32 $0x108;
	_ =	swait.ge @!p0 [sflag:s8], $0x0  }
0x24: {  	s3 =	sadd.s32 $0x88, s3;
	s6 =	simm.s32 @!p1 $0x1082;
	[sflag:s4] =	ssyncset.s32 $0xFFFFF086  }
0x25: {  	[simem:s6], [sflag:s4] =	dma.local [hbm:s3], $0xF7A  }
0x26: {  	[smem:$0x3F9F] =	sst s1;
	(tag) =	ssettag s2;
	_ =	strace s9  }
0x27: {  	s1 =	sld [smem:$0x3FAF]  }
0x28: {  	s2 =	sld [smem:$0x3FB0]  }
0x29: {  	s4 =	sld [smem:$0x3FB2]  }
0x2a: {  	p0 =	seq.s32 s5, $0x0;
	s5 =	sld [smem:$0x3FB3]  }
0x2b: {  	s6 =	sld [smem:$0x3FB4]  }
0x2c: {  	s7 =	sld [smem:$0x3FB5]  }
0x2d: {  	s3 =	simm.s32 $0x108;
	s8 =	sld [smem:$0x3FB6]  }
0x2e: {  	s3 =	simm.s32 @!p0 $0x1082;
	s9 =	sld [smem:$0x3FB7]  }
0x2f: {  	lr =	sadd.s32 s0, s3;
	s0 =	sld [smem:$0x3FAE]  }
0x30: {  	s3 =	sld [smem:$0x3FB1]  }
0x31: {  	[smem:$0x3FBA] =	sst s10  }
0x32: {  	s10 =	sld [smem:$0x3FB8];
	_ =	sdelay $0x3  }
0x33: {  	p0 =	seq.s32 s10, $0x1;
	s10 =	sld [smem:$0x3FBA];
	_ =	sdelay $0x3  }
0x34: {  	[smem:$0x3FBA] =	sst s10  }
0x35: {  	s10 =	sld [smem:$0x3FB9];
	_ =	sdelay $0x3  }
0x36: {  	p1 =	seq.s32 s10, $0x1;
	s10 =	sld [smem:$0x3FBA];
	_ =	sdelay $0x3  }
0x37: {  	[smem:$0x3FBA] =	sst s10  }
0x38: {  	s10 =	sld [smem:$0x3FBB]  }
0x39: {  	_ = 	snop;
	(pc) =	sbr.ind lr, $3  }
0x3a: {  	_ = 	snop  }
0x3b: {  	_ = 	snop  }
0x3c: {  	p2 =	seq.s32 s10, $0x1;
	s10 =	sld [smem:$0x3FBA]  }
0x3d: {  	_ =	shalt  }
0x3e: {  	_ =	shalt  }
0x3f: {  	_ =	shalt  }
0x40: {  	_ =	shalt  }
0x41: {  	_ =	shalt  }
0x42: {  	_ =	shalt  }
0x43: {  	_ =	shalt  }
0x44: {  	_ =	shalt  }
0x45: {  	_ =	shalt  }
0x46: {  	_ =	shalt  }
0x47: {  	_ =	shalt  }
0x48: {  	_ =	shalt  }
0x49: {  	_ =	shalt  }
0x4a: {  	_ =	shalt  }
0x4b: {  	_ =	shalt  }
0x4c: {  	_ =	shalt  }
0x4d: {  	_ =	shalt  }
0x4e: {  	_ =	shalt  }
0x4f: {  	_ =	shalt  }
0x50: {  	_ =	shalt  }
0x51: {  	_ =	shalt  }
0x52: {  	_ =	shalt  }
0x53: {  	_ =	shalt  }
0x54: {  	_ =	shalt  }
0x55: {  	_ =	shalt  }
0x56: {  	_ =	shalt  }
0x57: {  	_ =	shalt  }
0x58: {  	_ =	shalt  }
0x59: {  	_ =	shalt  }
0x5a: {  	_ =	shalt  }
0x5b: {  	_ =	shalt  }
0x5c: {  	_ =	shalt  }
0x5d: {  	_ =	shalt  }
0x5e: {  	_ =	shalt  }
0x5f: {  	_ =	shalt  }
0x60: {  	_ =	shalt  }
0x61: {  	_ =	shalt  }
0x62: {  	_ =	shalt  }
0x63: {  	_ =	shalt  }
0x64: {  	_ =	shalt  }
0x65: {  	_ =	shalt  }
0x66: {  	_ =	shalt  }
0x67: {  	_ =	shalt  }
0x68: {  	_ =	shalt  }
0x69: {  	_ =	shalt  }
0x6a: {  	_ =	shalt  }
0x6b: {  	_ =	shalt  }
0x6c: {  	_ =	shalt  }
0x6d: {  	_ =	shalt  }
0x6e: {  	_ =	shalt  }
0x6f: {  	_ =	shalt  }
0x70: {  	_ =	shalt  }
0x71: {  	_ =	shalt  }
0x72: {  	_ =	shalt  }
0x73: {  	_ =	shalt  }
0x74: {  	_ =	shalt  }
0x75: {  	_ =	shalt  }
0x76: {  	_ =	shalt  }
0x77: {  	_ =	shalt  }
0x78: {  	_ =	shalt  }
0x79: {  	_ =	shalt  }
0x7a: {  	_ =	shalt  }
0x7b: {  	_ =	shalt  }
0x7c: {  	_ =	shalt  }
0x7d: {  	_ =	shalt  }
0x7e: {  	_ =	shalt  }
0x7f: {  	_ =	shalt  }
0x80: {  	_ =	shalt  }
0x81: {  	_ =	shalt  }
0x82: {  	_ =	shalt  }
0x83: {  	_ =	shalt  }
0x84: {  	_ =	shalt  }
0x85: {  	_ =	shalt  }
0x86: {  	_ =	shalt  }
0x87: {  	_ =	shalt  }
.Lfunc_end0:
.L_simem_size_0:
called_computation.1_lowered:
.L_overlay_start_0:
0x88: {  	s2 =	sld [smem:$0x3FD9]  }
0x89: {  	s3 =	sld [smem:$0x3FFE];
	_ =	sdelay $0x1  }
0x8a: {  	s1 =	srdreg.scid  }
0x8b: {  	s0 =	sand.u32 $0x1, s1  }
0x8c: {  	s17 =	sshll.u32 s0, $0xA;
	s2 =	sadd.s32 s3, s2  }
0x8d: {  	s2 =	sadd.s32 s2, s17  }
0x8e: {  	[smem:$0x3FC6] =	sst s2  }
0x8f: {  	_ = 	snop  }
0x90: {  	s2 =	sld [smem:$0x3FD0];
	(tm) =	ssettm $0x1  }
0x91: {  	s18 =	sld [smem:$0x3FFB];
	_ =	sdelay $0x3  }
0x92: {  	_ =	strace s18  }
0x93: {  	s3 =	sld [smem:$0x3FFC];
	_ =	sdelay $0x3  }
0x94: {  	_ =	strace s3  }
0x95: {  	s3 =	sld [smem:$0x3FFD];
	_ =	sdelay $0x3  }
0x96: {  	_ =	strace s3  }
0x97: {  	_ =	strace $0x8FFFFFFF  }
0x98: {  	s19 =	sld [smem:$0x3FDB];
	_ =	sdelay $0x1  }
0x99: {  	s4 =	simm.s32 $_scs_section_size  }
0x9a: {  	s5 =	simm.s32 $_size__tile_overlayer_lowered;
	s6 =	simm.s32 $_tile_overlayer_lowered  }
0x9b: {  	s22 =	simm.s32 $0x1BFF;
	s21 =	sshll.u32 s6, $0x1;
	s3 =	sadd.s32 s4, s19  }
0x9c: {  	s7 =	simm.s32 $0x0;
	s20 =	sshll.u32 s5, $0x1;
	s5 =	sadd.s32 s21, s3  }
0x9d: {  	[timem:s7], [sflag:s22] =	dma.local [hbm:s5], s20  }
0x9e: {  	_ =	swait.ge [sflag:s22], s20  }
0x9f: {  	s4 =	ssub.s32 $0x0, s20;
	[sflag:s22] =	ssyncset.done $0x0  }
0xa0: {  	[sflag:s22] =	ssyncadd.s32 s4;
	_ =	sdelay $0x1  }
0xa1: {  	s23 =	simm.s32 $0x1B8B  }
0xa2: {  	_ =	swait.ge [sflag:s23], $0x1  }
0xa3: {  	[sflag:s23] =	ssyncset.done $0x0  }
0xa4: {  	s25 =	simm.s32 $0x1B8E;
	s24 =	sld [smem:$0x3FFE];
	[sflag:s23] =	ssyncadd.s32 $0xFFFFFFFF  }
0xa5: {  	s26 =	simm.s32 $execute0_lowered;
	[smem:$0x3FD2] =	sst s25  }
0xa6: {  	s5 =	sshll.u32 s26, $0x1;
	_ =	strace $0x80000046;
	[dreg:$0x1] =	wrdreg $0xFFFFFFFF  }
0xa7: {  	s28 =	simm.s32 $_size_execute0_lowered;
	s3 =	sadd.s32 s3, s5;
	[dreg:$0x0] =	wrdreg $0x0  }
0xa8: {  	s5 =	sshll.u32 s28, $0x1;
	[dreg:$0x2] =	wrdreg s3  }
0xa9: {  	[dreg:$0x3] =	wrdreg s5  }
0xaa: {  	[dreg:$0x4] =	wrdreg $0xC0  }
0xab: {  	_ =	task [dreg:s7], $0x5FFFF  }
0xac: {  	[dreg:$0x1] =	wrdreg $0xFFFFFFFF  }
0xad: {  	[dreg:$0x0] =	wrdreg $0x60  }
0xae: {  	[dreg:$0x2] =	wrdreg s2  }
0xaf: {  	[dreg:$0x3] =	wrdreg s24  }
0xb0: {  	[dreg:$0x4] =	wrdreg $0x9  }
0xb1: {  	_ =	task.clear_ibuf [dreg:s7], $0x5FFFF;
	_ =	strace $0x90000046  }
0xb2: {  	s29 =	simm.s32 $0x9;
	_ =	strace $0x80000048  }
0xb3: {  	_ =	swait.ge [sflag:s29], $0x1  }
0xb4: {  	[sflag:s29] =	ssyncadd.s32 $0xFFFFFFFF  }
0xb5: {  	_ =	strace $0x90000048  }
0xb6: {  	_ =	sfence  }
0xb7: {  	s30 =	sld [smem:$0x0];
	_ =	sdelay $0x2  }
0xb8: {  	s31 =	sshll.u32 s1, $0xD;
	s1 =	sshrl.u32 s1, $0x2  }
0xb9: {  	s3 =	sand.u32 $0x4000, s31;
	s1 =	sadd.s32 s1, s30  }
0xba: {  	s0 =	sor.u32 s3, s0;
	s1 =	sshll.u32 s1, $0x11  }
0xbb: {  	s0 =	sor.u32 s1, s0  }
0xbc: {  	s0 =	sadd.s32 $0x8F2B, s0  }
0xbd: {  	[sflag:s0] =	ssyncadd.remote.s32 $0x1  }
0xbe: {  	_ =	sfence.sel $0xFFFF  }
0xbf: {  	[dreg:$0x0] =	wrdreg $0xFFFFFFFF;
	(pc) =	sbr.abs _section_cstart, $3  }
0xc0: {  	[dreg:$0x1] =	wrdreg $0xFFFFFFFF  }
0xc1: {  	_ =	task.clear_ibuf [dreg:s7], $0x2FFFF;
	_ =	strace $0x9FFFFFFF  }
0xc2: {  	(tm) =	ssettm $0x7FFFFFFF  }
0xc3: {  	_ =	shalt  }
tec
execute0_lowered:
.L_overlay_start_1:
0x0: {  	(tag) =	ssettag $0x1  }
0x1: {  	s3 =	srdreg.scid;
	s4 =	stileid.u32  }
0x2: {  	s3 =	sand.u32 $0x1, s3;
	s4 =	sshll.u32 s4, $0x1  }
0x3: {  	s0 =	rddreg [dreg:$0x0];
	s6 =	sor.u32 s3, s4  }
0x4: {  	s1 =	rddreg [dreg:$0x1];
	s2 =	simm.s32 $0x0;
	s8 =	smul.u32 $0x480, s6  }
0x5: {  	[smem:$0x7FF] =	sst s2;
	s5 =	ssub.s32 $0x2, s3;
	s4 =	smul.u32 $0x1900, s6  }
.Ltmp0:
0x6: {  	s3 =	sadd.s32 $0x800, s1;
	s1 =	sadd.s32 $0xF42C00, s1;
	(pc) =	sbr.rel .LBB2_1-.Ltmp0, $4  }
0x7: {  	_ =	strace $0x80000047;
	s7 =	sshrl.u32 s5, $0x1;
	[dreg:$0x5] =	wrdreg s1  }
0x8: {  	s30 =	ssub.s32 s5, s7;
	[dreg:$0x6] =	wrdreg s4;
	s0 =	sadd.s32 s0, s8  }
0x9: {  	s31 =	smax.u32 s30, $0x1;
	[dreg:$0x7] =	wrdreg s0  }
0xa: {  	s14 =	simm.s32 $0x0;
	s1 =	simm.s32 $0x0;
	[dreg:$0x8] =	wrdreg s31  }
.LBB2_11:
0xb: {  	s1 =	rddreg [dreg:$0x9]  }
0xc: {  	s0 =	rddreg [dreg:$0x8];
	s1 =	sadd.s32 $0x1, s1  }
0xd: {  	p0 =	sne.s32 s1, s0  }
.Ltmp1:
0xe: {  	_ = 	snop;
	(pc) =	sbr.rel @!p0 .LBB2_12-.Ltmp1, $1  }
0xf: {  	_ =	sdelay $0x3  }
.LBB2_1:
0x10: {  	[dreg:$0x9] =	wrdreg s1  }
0x11: {  	s0 =	rddreg [dreg:$0x7];
	s31 =	simm.s32 $0x3  }
0x12: {  	[tilespmem:s2], [sflag:$0x3] =	stream.linear.gather [hbm4b:s0+s2], $0x2400, $0x38;
	[tilespmem:$0x16400] =	vst v63  }
0x13: {  	_ =	swait.ge [sflag:s31], $0x2400  }
0x14: {  	s15 =	simm.s32 $0x0;
	[sflag:s31] =	ssyncset.done $0x0  }
0x15: {  	s16 =	simm.s32 $0x0;
	s17 =	simm.s32 $0x0;
	[sflag:s31] =	ssyncadd.s32 $0xFFFFDC00  }
.LBB2_2:
0x16: {  	s0 =	sand.u32 $0x70, s15;
	s1 =	sand.u32 $0xC00, s16  }
0x17: {  	s0 =	sor.u32 s0, s1  }
0x18: {  	v0 =	vld [tilespmem:s0+$0x0];
	_ =	sdelay $0x4  }
0x19: {  	v1 =	vshrl.u32 v0, $0x3  }
0x1a: {  	v0 =	vand.u32 $0x7, v0;
	v1 =	vshll.u32 v1, $0xA  }
0x1b: {  	v0 =	vshll.u32 v0, $0x7;
	(v2sf) =	vpush v1, $0x0  }
0x1c: {  	(v2sf) =	vpush v0, $0x0;
	_ =	sdelay $0x2  }
0x1d: {  	(v2sf) =	vpush v1, $0x1  }
0x1e: {  	(v2sf) =	vpush v0, $0x1;
	_ =	sdelay $0x1  }
0x1f: {  	(v2sf) =	vpush v1, $0x2;
	_ =	sdelay $0x1  }
0x20: {  	(v2sf) =	vpush v0, $0x2;
	_ =	sdelay $0x5  }
0x21: {  	s29 =	spop (v2sf);
	(v2sf) =	vpush v1, $0x3  }
0x22: {  	s30 =	spop (v2sf);
	(v2sf) =	vpush v0, $0x3;
	_ =	sdelay $0x2  }
0x23: {  	s1 =	spop (v2sf);
	(v2sf) =	vpush v1, $0x4  }
0x24: {  	s4 =	spop (v2sf);
	(v2sf) =	vpush v0, $0x4;
	_ =	sdelay $0x1  }
0x25: {  	s6 =	spop (v2sf);
	(v2sf) =	vpush v1, $0x5;
	_ =	sdelay $0x1  }
0x26: {  	s7 =	spop (v2sf);
	(v2sf) =	vpush v0, $0x5;
	_ =	sdelay $0x1  }
0x27: {  	s0 =	sor.u32 s30, s29  }
0x28: {  	s18 =	sshra.s32 s17, $0x2;
	s0 =	sshrl.u32 s0, $0x3  }
0x29: {  	s31 =	sadd.s32 $0x2400, s18;
	s0 =	sadd.s32 s3, s0  }
0x2a: {  	[tilespmem:s31], [sflag:$0x1] =	stream.linear.gather [hbm4b:s0+s14], $0x80, $0x38;
	[tilespmem:$0x16400] =	vst v63  }
0x2b: {  	s0 =	sor.u32 s4, s1;
	s9 =	spop (v2sf);
	(v2sf) =	vpush v1, $0x6  }
0x2c: {  	s0 =	sshrl.u32 s0, $0x3;
	s10 =	spop (v2sf);
	(v2sf) =	vpush v0, $0x6  }
0x2d: {  	s5 =	sadd.s32 $0x2480, s18;
	s0 =	sadd.s32 s3, s0  }
0x2e: {  	[tilespmem:s5], [sflag:$0x1] =	stream.linear.gather [hbm4b:s0+s14], $0x80, $0x38;
	[tilespmem:$0x16400] =	vst v63  }
0x2f: {  	s12 =	spop (v2sf);
	(v2sf) =	vpush v1, $0x7  }
0x30: {  	s0 =	sor.u32 s7, s6;
	s13 =	spop (v2sf);
	(v2sf) =	vpush v0, $0x7  }
0x31: {  	s0 =	sshrl.u32 s0, $0x3  }
0x32: {  	s8 =	sadd.s32 $0x2500, s18;
	s0 =	sadd.s32 s3, s0;
	s20 =	spop (v2sf);
	(v2sf) =	vpush v1, $0x8  }
0x33: {  	[tilespmem:s8], [sflag:$0x1] =	stream.linear.gather [hbm4b:s0+s14], $0x80, $0x38;
	[tilespmem:$0x16400] =	vst v63  }
0x34: {  	s21 =	spop (v2sf);
	(v2sf) =	vpush v0, $0x8  }
0x35: {  	s0 =	sor.u32 s10, s9  }
0x36: {  	s0 =	sshrl.u32 s0, $0x3  }
0x37: {  	s11 =	sadd.s32 $0x2580, s18;
	s0 =	sadd.s32 s3, s0  }
0x38: {  	[tilespmem:s11], [sflag:$0x1] =	stream.linear.gather [hbm4b:s0+s14], $0x80, $0x38;
	[tilespmem:$0x16400] =	vst v63  }
0x39: {  	s0 =	sor.u32 s13, s12  }
0x3a: {  	s0 =	sshrl.u32 s0, $0x3;
	s23 =	spop (v2sf);
	(v2sf) =	vpush v1, $0x9  }
0x3b: {  	s19 =	sadd.s32 $0x2600, s18;
	s0 =	sadd.s32 s3, s0;
	s24 =	spop (v2sf);
	(v2sf) =	vpush v0, $0x9  }
0x3c: {  	[tilespmem:s19], [sflag:$0x1] =	stream.linear.gather [hbm4b:s0+s14], $0x80, $0x38;
	[tilespmem:$0x16400] =	vst v63  }
0x3d: {  	s0 =	sor.u32 s21, s20  }
0x3e: {  	s0 =	sshrl.u32 s0, $0x3;
	s26 =	spop (v2sf);
	(v2sf) =	vpush v1, $0xA  }
0x3f: {  	s22 =	sadd.s32 $0x2680, s18;
	s0 =	sadd.s32 s3, s0;
	s28 =	spop (v2sf);
	(v2sf) =	vpush v0, $0xA  }
0x40: {  	[tilespmem:s22], [sflag:$0x1] =	stream.linear.gather [hbm4b:s0+s14], $0x80, $0x38;
	[tilespmem:$0x16400] =	vst v63  }
0x41: {  	s0 =	sor.u32 s24, s23;
	s30 =	spop (v2sf);
	(v2sf) =	vpush v1, $0xB  }
0x42: {  	s0 =	sshrl.u32 s0, $0x3  }
0x43: {  	s25 =	sadd.s32 $0x2700, s18;
	s0 =	sadd.s32 s3, s0;
	s31 =	spop (v2sf);
	(v2sf) =	vpush v0, $0xB  }
0x44: {  	[tilespmem:s25], [sflag:$0x1] =	stream.linear.gather [hbm4b:s0+s14], $0x80, $0x38;
	[tilespmem:$0x16400] =	vst v63  }
0x45: {  	s0 =	sor.u32 s28, s26  }
0x46: {  	s0 =	sshrl.u32 s0, $0x3  }
0x47: {  	s29 =	sadd.s32 $0x2780, s18;
	s0 =	sadd.s32 s3, s0  }
0x48: {  	[tilespmem:s29], [sflag:$0x1] =	stream.linear.gather [hbm4b:s0+s14], $0x80, $0x38;
	[tilespmem:$0x16400] =	vst v63  }
0x49: {  	s0 =	sor.u32 s31, s30;
	s5 =	spop (v2sf);
	(v2sf) =	vpush v1, $0xC  }
0x4a: {  	s0 =	sshrl.u32 s0, $0x3;
	s6 =	spop (v2sf);
	(v2sf) =	vpush v0, $0xC  }
0x4b: {  	s4 =	sadd.s32 $0x2800, s18;
	s0 =	sadd.s32 s3, s0  }
0x4c: {  	[tilespmem:s4], [sflag:$0x1] =	stream.linear.gather [hbm4b:s0+s14], $0x80, $0x38;
	[tilespmem:$0x16400] =	vst v63  }
0x4d: {  	s8 =	spop (v2sf);
	(v2sf) =	vpush v1, $0xD  }
0x4e: {  	s0 =	sor.u32 s6, s5;
	s9 =	spop (v2sf);
	(v2sf) =	vpush v0, $0xD  }
0x4f: {  	s0 =	sshrl.u32 s0, $0x3  }
0x50: {  	s7 =	sadd.s32 $0x2880, s18;
	s0 =	sadd.s32 s3, s0;
	s11 =	spop (v2sf)  }
0x51: {  	(v2sf) =	vpush v1, $0xE;
	[tilespmem:s7], [sflag:$0x1] =	stream.linear.gather [hbm4b:s0+s14], $0x80, $0x38;
	[tilespmem:$0x16400] =	vst v63  }
0x52: {  	s12 =	spop (v2sf);
	(v2sf) =	vpush v0, $0xE  }
0x53: {  	s0 =	sor.u32 s9, s8  }
0x54: {  	s0 =	sshrl.u32 s0, $0x3  }
0x55: {  	s10 =	sadd.s32 $0x2900, s18;
	s0 =	sadd.s32 s3, s0  }
0x56: {  	[tilespmem:s10], [sflag:$0x1] =	stream.linear.gather [hbm4b:s0+s14], $0x80, $0x38;
	[tilespmem:$0x16400] =	vst v63  }
0x57: {  	s0 =	sor.u32 s12, s11  }
0x58: {  	s0 =	sshrl.u32 s0, $0x3;
	s19 =	spop (v2sf);
	(v2sf) =	vpush v1, $0xF  }
0x59: {  	s13 =	sadd.s32 $0x2980, s18;
	s0 =	sadd.s32 s3, s0;
	s20 =	spop (v2sf);
	(v2sf) =	vpush v0, $0xF  }
0x5a: {  	[tilespmem:s13], [sflag:$0x1] =	stream.linear.gather [hbm4b:s0+s14], $0x80, $0x38;
	[tilespmem:$0x16400] =	vst v63  }
0x5b: {  	s0 =	sor.u32 s20, s19  }
0x5c: {  	s22 =	spop (v2sf);
	s0 =	sshrl.u32 s0, $0x3  }
0x5d: {  	s21 =	sadd.s32 $0x2A00, s18;
	s23 =	spop (v2sf);
	s0 =	sadd.s32 s3, s0  }
0x5e: {  	[tilespmem:s21], [sflag:$0x1] =	stream.linear.gather [hbm4b:s0+s14], $0x80, $0x38;
	[tilespmem:$0x16400] =	vst v63  }
0x5f: {  	s0 =	sor.u32 s23, s22  }
0x60: {  	s25 =	spop (v2sf);
	s0 =	sshrl.u32 s0, $0x3  }
0x61: {  	s24 =	sadd.s32 $0x2A80, s18;
	s26 =	spop (v2sf);
	s0 =	sadd.s32 s3, s0  }
0x62: {  	[tilespmem:s24], [sflag:$0x1] =	stream.linear.gather [hbm4b:s0+s14], $0x80, $0x38;
	[tilespmem:$0x16400] =	vst v63  }
0x63: {  	s0 =	sor.u32 s26, s25  }
0x64: {  	s0 =	sshrl.u32 s0, $0x3  }
0x65: {  	s28 =	sadd.s32 $0x2B00, s18;
	s0 =	sadd.s32 s3, s0  }
0x66: {  	[tilespmem:s28], [sflag:$0x1] =	stream.linear.gather [hbm4b:s0+s14], $0x80, $0x38;
	[tilespmem:$0x16400] =	vst v63  }
0x67: {  	p0 =	sne.s32 s17, $0x26000;
	s29 =	spop (v2sf)  }
.Ltmp2:
0x68: {  	s30 =	spop (v2sf);
	(pc) =	sbr.rel @p0 .LBB2_2-.Ltmp2, $4  }
0x69: {  	s0 =	sor.u32 s30, s29  }
0x6a: {  	s16 =	sadd.s32 $0x80, s16;
	s15 =	sadd.s32 $0x10, s15;
	s0 =	sshrl.u32 s0, $0x3  }
0x6b: {  	s17 =	sadd.s32 $0x2000, s17;
	s31 =	sadd.s32 $0x2B80, s18;
	s0 =	sadd.s32 s3, s0  }
0x6c: {  	[tilespmem:s31], [sflag:$0x1] =	stream.linear.gather [hbm4b:s0+s14], $0x80, $0x38;
	[tilespmem:$0x16400] =	vst v63  }
.Ltmp3:
0x6d: {  	(pc) =	sbr.rel .LBB2_4-.Ltmp3, $2  }
0x6e: {  	_ =	sdelay $0x2  }
0x6f: {  	s15 =	simm.s32 $0x0  }
.LBB2_10:
0x70: {  	s4 =	simm.s32 $0x2  }
0x71: {  	s0 =	smul.u32 $0x140, s16;
	_ =	swait.ge [sflag:s4], $0xA000  }
0x72: {  	s30 =	simm.s32 $0xC400;
	s15 =	sadd.s32 $0x1, s15;
	s1 =	rddreg [dreg:$0x6]  }
0x73: {  	s31 =	simm.s32 $0x3;
	p0 =	sne.s32 s15, $0xA;
	s0 =	sadd.s32 s1, s0  }
0x74: {  	[sflag:s4] =	ssyncset.done $0x0;
	s29 =	rddreg [dreg:$0x5];
	s0 =	sshll.u32 s0, $0x4  }
.Ltmp4:
0x75: {  	[sflag:s4] =	ssyncadd.s32 $0xFFFF6000;
	s0 =	sadd.s32 s29, s0;
	(pc) =	sbr.rel @!p0 .LBB2_11-.Ltmp4, $4  }
0x76: {  	[hbm4b:s0+s2] =	stream.linear.scatter [tilespmem:s30], [sflag:$0x3], $0xA000, $0x38;
	[tilespmem:$0x16400] =	vst v63  }
0x77: {  	_ =	swait.ge [sflag:s31], $0xA000  }
0x78: {  	[sflag:s31] =	ssyncset.done $0x0  }
0x79: {  	[sflag:s31] =	ssyncadd.s32 $0xFFFF6000  }
.LBB2_4:
0x7a: {  	s0 =	sshrl.u32 s15, $0x2  }
0x7b: {  	s16 =	sshllo.u32 s15, $0x1;
	s0 =	smul.u32 $0x3000, s0  }
0x7c: {  	s1 =	sshll.u32 s16, $0x7  }
0x7d: {  	s1 =	sand.u32 $0x380, s1;
	s0 =	sshra.s32 s0, $0x2  }
0x7e: {  	s0 =	sor.u32 s1, s0  }
0x7f: {  	[dreg:$0x3] =	wrdreg s0  }
0x80: {  	s26 =	sand.u32 $0xC00, s14;
	s0 =	rddreg [dreg:$0x3]  }
0x81: {  	s6 =	sand.u32 $0x70, s14;
	s0 =	sadd.s32 s26, s0  }
0x82: {  	s0 =	sadd.s32 s6, s0  }
0x83: {  	v0 =	vld [tilespmem:s0+$0x0];
	_ =	sdelay $0x4  }
0x84: {  	v1 =	vshrl.u32 v0, $0x3  }
0x85: {  	v0 =	vand.u32 $0x7, v0;
	v1 =	vshll.u32 v1, $0xA  }
0x86: {  	v0 =	vshll.u32 v0, $0x7;
	(v2sf) =	vpush v1, $0x9  }
0x87: {  	(v2sf) =	vpush v0, $0xA  }
0x88: {  	(v2sf) =	vpush v0, $0x9  }
0x89: {  	(v2sf) =	vpush v0, $0x8  }
0x8a: {  	(v2sf) =	vpush v1, $0x5  }
0x8b: {  	(v2sf) =	vpush v1, $0xA  }
0x8c: {  	(v2sf) =	vpush v0, $0x3  }
0x8d: {  	(v2sf) =	vpush v1, $0x4  }
0x8e: {  	(v2sf) =	vpush v0, $0x4  }
0x8f: {  	(v2sf) =	vpush v1, $0x6  }
0x90: {  	(v2sf) =	vpush v0, $0x5  }
0x91: {  	(v2sf) =	vpush v1, $0x2  }
0x92: {  	(v2sf) =	vpush v0, $0x6  }
0x93: {  	(v2sf) =	vpush v1, $0x7  }
0x94: {  	(v2sf) =	vpush v0, $0x7  }
0x95: {  	s4 =	spop (v2sf);
	(v2sf) =	vpush v1, $0x8  }
0x96: {  	s5 =	spop (v2sf);
	(v2sf) =	vpush v1, $0x0  }
0x97: {  	s7 =	spop (v2sf);
	(v2sf) =	vpush v1, $0x3  }
0x98: {  	s10 =	spop (v2sf);
	(v2sf) =	vpush v0, $0x1  }
0x99: {  	s12 =	spop (v2sf)  }
0x9a: {  	s13 =	spop (v2sf)  }
0x9b: {  	s1 =	spop (v2sf)  }
0x9c: {  	s19 =	spop (v2sf)  }
0x9d: {  	s17 =	sshll.u32 s15, $0x1;
	(v2sf) =	vpush v0, $0x2;
	s20 =	spop (v2sf)  }
0x9e: {  	s18 =	simm.s32 $0x2000;
	s26 =	simm.s32 $0xC780;
	(v2sf) =	vpush v0, $0x0;
	s21 =	spop (v2sf)  }
0x9f: {  	s0 =	simm.s32 $0xC680;
	s29 =	sor.u32 s7, s4;
	s23 =	spop (v2sf);
	(v2sf) =	vpush v1, $0xB  }
0xa0: {  	s29 =	sshrl.u32 s29, $0x3;
	s6 =	sor.u32 s20, s19;
	s7 =	spop (v2sf);
	(v2sf) =	vpush v0, $0xB  }
0xa1: {  	s22 =	sor.u32 s5, s13;
	s24 =	sshrl.u32 s6, $0x3;
	s9 =	spop (v2sf);
	(v2sf) =	vpush v1, $0xC  }
0xa2: {  	s6 =	simm.s32 $0xC600;
	s8 =	sor.u32 s23, s12;
	s11 =	spop (v2sf);
	(v2sf) =	vpush v1, $0x1  }
0xa3: {  	s25 =	sshrl.u32 s8, $0x3;
	s13 =	sor.u32 s9, s21;
	s19 =	spop (v2sf);
	(v2sf) =	vpush v0, $0xC  }
0xa4: {  	s21 =	simm.s32 $0x0;
	s28 =	sshrl.u32 s13, $0x3;
	(v2sf) =	vpush v1, $0xD;
	s23 =	spop (v2sf)  }
0xa5: {  	s13 =	simm.s32 $0xC580;
	s20 =	sor.u32 s19, s11;
	(v2sf) =	vpush v0, $0xD;
	s12 =	spop (v2sf)  }
0xa6: {  	s19 =	simm.s32 $0x0;
	s31 =	sor.u32 s10, s23;
	(v2sf) =	vpush v0, $0xE;
	s23 =	spop (v2sf)  }
0xa7: {  	s30 =	sshrl.u32 s20, $0x3;
	s20 =	simm.s32 $0x0;
	(v2sf) =	vpush v1, $0xE;
	s10 =	spop (v2sf)  }
.LBB2_5:
0xa8: {  	_ =	sdelay $0x3  }
0xa9: {  	s9 =	sadd.s32 $0xC500, s21;
	s11 =	spop (v2sf)  }
0xaa: {  	s1 =	sor.u32 s1, s23;
	s7 =	sor.u32 s11, s7;
	s5 =	spop (v2sf)  }
0xab: {  	(v2sf) =	vpush v1, $0xF;
	s11 =	sshrl.u32 s1, $0x3;
	s1 =	sor.u32 s5, s12;
	s8 =	spop (v2sf)  }
0xac: {  	s19 =	sadd.s32 $0x10, s19;
	s1 =	sshrl.u32 s1, $0x3;
	s4 =	spop (v2sf)  }
0xad: {  	(v2sf) =	vpush v0, $0xF;
	s5 =	sadd.s32 s3, s1;
	s1 =	sor.u32 s4, s8;
	s4 =	spop (v2sf)  }
0xae: {  	s12 =	sshrl.u32 s7, $0x3;
	s7 =	sadd.s32 $0xC400, s21;
	s8 =	spop (v2sf)  }
0xaf: {  	[tilespmem:s7], [sflag:$0x2] =	stream.linear.gather [hbm4b:s5+s2], $0x80, $0x38;
	[tilespmem:$0x16400] =	vst v63  }
0xb0: {  	s7 =	sor.u32 s10, s8;
	s8 =	sadd.s32 $0xC480, s21;
	s10 =	spop (v2sf)  }
0xb1: {  	s5 =	sshrl.u32 s7, $0x3;
	s4 =	sor.u32 s10, s4;
	s10 =	spop (v2sf)  }
0xb2: {  	s5 =	sadd.s32 s3, s5;
	s7 =	sshrl.u32 s4, $0x3;
	s4 =	spop (v2sf)  }
0xb3: {  	[tilespmem:s8], [sflag:$0x2] =	stream.linear.gather [hbm4b:s5+s2], $0x80, $0x38;
	[tilespmem:$0x16400] =	vst v63  }
0xb4: {  	s8 =	sadd.s32 s3, s12;
	s4 =	sor.u32 s4, s10;
	s10 =	spop (v2sf)  }
0xb5: {  	[tilespmem:s9], [sflag:$0x2] =	stream.linear.gather [hbm4b:s8+s2], $0x80, $0x38;
	[tilespmem:$0x16400] =	vst v63  }
0xb6: {  	s20 =	sadd.s32 $0x80, s20;
	s11 =	sadd.s32 s3, s11;
	s12 =	spop (v2sf)  }
0xb7: {  	[tilespmem:s13], [sflag:$0x2] =	stream.linear.gather [hbm4b:s11+s2], $0x80, $0x38;
	[tilespmem:$0x16400] =	vst v63  }
0xb8: {  	s1 =	sshrl.u32 s1, $0x3;
	s8 =	sor.u32 s10, s12;
	s13 =	sadd.s32 s3, s24  }
0xb9: {  	[tilespmem:s6], [sflag:$0x2] =	stream.linear.gather [hbm4b:s13+s2], $0x80, $0x38;
	[tilespmem:$0x16400] =	vst v63  }
0xba: {  	s10 =	sadd.s32 s3, s25;
	s12 =	sadd.s32 $0xC700, s21;
	s24 =	spop (v2sf)  }
0xbb: {  	[tilespmem:s0], [sflag:$0x2] =	stream.linear.gather [hbm4b:s10+s2], $0x80, $0x38;
	[tilespmem:$0x16400] =	vst v63  }
0xbc: {  	s25 =	sshrl.u32 s31, $0x3;
	s13 =	sadd.s32 s3, s28;
	s11 =	spop (v2sf)  }
0xbd: {  	[tilespmem:s12], [sflag:$0x2] =	stream.linear.gather [hbm4b:s13+s2], $0x80, $0x38;
	[tilespmem:$0x16400] =	vst v63  }
0xbe: {  	s6 =	sshrl.u32 s8, $0x3;
	s8 =	sor.u32 s11, s24;
	s24 =	sadd.s32 s3, s30  }
0xbf: {  	[tilespmem:s26], [sflag:$0x2] =	stream.linear.gather [hbm4b:s24+s2], $0x80, $0x38;
	[tilespmem:$0x16400] =	vst v63  }
0xc0: {  	s1 =	sadd.s32 s3, s1;
	s5 =	sadd.s32 s3, s25;
	s26 =	sadd.s32 $0xC800, s21  }
0xc1: {  	[tilespmem:s26], [sflag:$0x2] =	stream.linear.gather [hbm4b:s5+s2], $0x80, $0x38;
	[tilespmem:$0x16400] =	vst v63  }
0xc2: {  	s9 =	sadd.s32 $0xC880, s21;
	s10 =	sadd.s32 s3, s29;
	s11 =	sshrl.u32 s22, $0x3  }
0xc3: {  	[tilespmem:s9], [sflag:$0x2] =	stream.linear.gather [hbm4b:s10+s2], $0x80, $0x38;
	[tilespmem:$0x16400] =	vst v63  }
0xc4: {  	s4 =	sshrl.u32 s4, $0x3;
	s12 =	sadd.s32 $0xC900, s21;
	s13 =	sadd.s32 s3, s11  }
0xc5: {  	[tilespmem:s12], [sflag:$0x2] =	stream.linear.gather [hbm4b:s13+s2], $0x80, $0x38;
	[tilespmem:$0x16400] =	vst v63  }
0xc6: {  	s4 =	sadd.s32 s3, s4;
	s25 =	sadd.s32 s3, s7;
	s22 =	sadd.s32 $0xC980, s21  }
0xc7: {  	[tilespmem:s22], [sflag:$0x2] =	stream.linear.gather [hbm4b:s1+s2], $0x80, $0x38;
	[tilespmem:$0x16400] =	vst v63  }
0xc8: {  	s7 =	rddreg [dreg:$0x3];
	s6 =	sadd.s32 s3, s6;
	s24 =	sadd.s32 $0xCA00, s21  }
0xc9: {  	[tilespmem:s24], [sflag:$0x2] =	stream.linear.gather [hbm4b:s25+s2], $0x80, $0x38;
	[tilespmem:$0x16400] =	vst v63  }
0xca: {  	s8 =	sshrl.u32 s8, $0x3;
	s9 =	sadd.s32 $0xCA80, s21;
	s10 =	sand.u32 $0xC00, s20  }
0xcb: {  	[tilespmem:s9], [sflag:$0x2] =	stream.linear.gather [hbm4b:s4+s2], $0x80, $0x38;
	[tilespmem:$0x16400] =	vst v63  }
0xcc: {  	s11 =	sadd.s32 $0xCB00, s21;
	s0 =	sadd.s32 s10, s7;
	s12 =	sand.u32 $0x70, s19  }
0xcd: {  	[tilespmem:s11], [sflag:$0x2] =	stream.linear.gather [hbm4b:s6+s2], $0x80, $0x38;
	[tilespmem:$0x16400] =	vst v63  }
0xce: {  	s26 =	sadd.s32 $0xCB80, s21;
	s13 =	sadd.s32 s3, s8;
	s0 =	sadd.s32 s12, s0  }
0xcf: {  	[tilespmem:s26], [sflag:$0x2] =	stream.linear.gather [hbm4b:s13+s2], $0x80, $0x38;
	[tilespmem:$0x16400] =	vst v63  }
0xd0: {  	v0 =	vld [tilespmem:s0+$0x0];
	_ =	sdelay $0x4  }
0xd1: {  	v1 =	vshrl.u32 v0, $0x3  }
0xd2: {  	v0 =	vand.u32 $0x7, v0;
	v1 =	vshll.u32 v1, $0xA  }
0xd3: {  	v0 =	vshll.u32 v0, $0x7;
	(v2sf) =	vpush v1, $0x9  }
0xd4: {  	(v2sf) =	vpush v0, $0xA  }
0xd5: {  	(v2sf) =	vpush v0, $0x9  }
0xd6: {  	(v2sf) =	vpush v0, $0x8  }
0xd7: {  	(v2sf) =	vpush v1, $0x5  }
0xd8: {  	(v2sf) =	vpush v1, $0xA  }
0xd9: {  	(v2sf) =	vpush v0, $0x3  }
0xda: {  	(v2sf) =	vpush v1, $0x4  }
0xdb: {  	(v2sf) =	vpush v0, $0x4  }
0xdc: {  	(v2sf) =	vpush v1, $0x6  }
0xdd: {  	(v2sf) =	vpush v0, $0x5  }
0xde: {  	(v2sf) =	vpush v1, $0x2  }
0xdf: {  	(v2sf) =	vpush v0, $0x6  }
0xe0: {  	(v2sf) =	vpush v1, $0x7  }
0xe1: {  	(v2sf) =	vpush v0, $0x7  }
0xe2: {  	(v2sf) =	vpush v1, $0x8;
	s21 =	spop (v2sf)  }
0xe3: {  	(v2sf) =	vpush v1, $0x0;
	s22 =	spop (v2sf)  }
0xe4: {  	(v2sf) =	vpush v1, $0x3;
	s24 =	spop (v2sf)  }
0xe5: {  	(v2sf) =	vpush v0, $0x1;
	s5 =	spop (v2sf)  }
0xe6: {  	s25 =	spop (v2sf)  }
0xe7: {  	s26 =	spop (v2sf)  }
0xe8: {  	s1 =	spop (v2sf)  }
0xe9: {  	s7 =	spop (v2sf)  }
0xea: {  	s23 =	smov.u32 s18;
	(v2sf) =	vpush v0, $0x2;
	s8 =	spop (v2sf)  }
0xeb: {  	p0 =	sne.s32 s18, $0x26000;
	s18 =	sadd.s32 $0x2000, s18;
	(v2sf) =	vpush v0, $0x0;
	s9 =	spop (v2sf)  }
0xec: {  	s4 =	sor.u32 s24, s21;
	s21 =	sshra.s32 s23, $0x2;
	(v2sf) =	vpush v1, $0xB;
	s10 =	spop (v2sf)  }
0xed: {  	s29 =	sshrl.u32 s4, $0x3;
	(v2sf) =	vpush v0, $0xB;
	s6 =	sor.u32 s8, s7;
	s7 =	spop (v2sf)  }
0xee: {  	s22 =	sor.u32 s22, s26;
	(v2sf) =	vpush v1, $0xC;
	s0 =	sor.u32 s10, s25;
	s11 =	spop (v2sf)  }
0xef: {  	s26 =	sadd.s32 $0xC780, s21;
	(v2sf) =	vpush v1, $0x1;
	s25 =	sshrl.u32 s0, $0x3;
	s12 =	spop (v2sf)  }
.Ltmp5:
0xf0: {  	(v2sf) =	vpush v0, $0xC;
	s0 =	sor.u32 s11, s9;
	s13 =	spop (v2sf);
	(pc) =	sbr.rel @p0 .LBB2_5-.Ltmp5, $4  }
0xf1: {  	s24 =	sshrl.u32 s6, $0x3;
	(v2sf) =	vpush v1, $0xD;
	s28 =	sshrl.u32 s0, $0x3;
	s23 =	spop (v2sf)  }
0xf2: {  	(v2sf) =	vpush v0, $0xD;
	s0 =	sadd.s32 $0xC680, s21;
	s6 =	sor.u32 s13, s12;
	s12 =	spop (v2sf)  }
0xf3: {  	(v2sf) =	vpush v0, $0xE;
	s13 =	sadd.s32 $0xC580, s21;
	s31 =	sor.u32 s5, s23;
	s23 =	spop (v2sf)  }
0xf4: {  	s30 =	sshrl.u32 s6, $0x3;
	s6 =	sadd.s32 $0xC600, s21;
	(v2sf) =	vpush v1, $0xE;
	s10 =	spop (v2sf)  }
0xf5: {  	_ =	sdelay $0x3  }
0xf6: {  	s4 =	spop (v2sf)  }
0xf7: {  	s5 =	spop (v2sf)  }
0xf8: {  	s5 =	sor.u32 s5, s12  }
0xf9: {  	s8 =	spop (v2sf);
	s5 =	sshrl.u32 s5, $0x3  }
0xfa: {  	s11 =	sadd.s32 $0xC400, s21;
	s9 =	spop (v2sf);
	s5 =	sadd.s32 s3, s5  }
0xfb: {  	[tilespmem:s11], [sflag:$0x2] =	stream.linear.gather [hbm4b:s5+s2], $0x80, $0x38;
	[tilespmem:$0x16400] =	vst v63  }
0xfc: {  	s5 =	spop (v2sf)  }
0xfd: {  	s20 =	spop (v2sf)  }
0xfe: {  	s10 =	sor.u32 s10, s20  }
0xff: {  	s1 =	sor.u32 s1, s23;
	s4 =	sor.u32 s4, s7;
	s10 =	sshrl.u32 s10, $0x3  }
0x100: {  	s12 =	sadd.s32 $0xC480, s21;
	s4 =	sshrl.u32 s4, $0x3;
	s10 =	sadd.s32 s3, s10  }
0x101: {  	[tilespmem:s12], [sflag:$0x2] =	stream.linear.gather [hbm4b:s10+s2], $0x80, $0x38;
	[tilespmem:$0x16400] =	vst v63  }
0x102: {  	s18 =	sadd.s32 $0xC500, s21;
	s1 =	sshrl.u32 s1, $0x3;
	s4 =	sadd.s32 s3, s4  }
0x103: {  	[tilespmem:s18], [sflag:$0x2] =	stream.linear.gather [hbm4b:s4+s2], $0x80, $0x38;
	[tilespmem:$0x16400] =	vst v63  }
0x104: {  	s1 =	sadd.s32 s3, s1  }
0x105: {  	[tilespmem:s13], [sflag:$0x2] =	stream.linear.gather [hbm4b:s1+s2], $0x80, $0x38;
	[tilespmem:$0x16400] =	vst v63  }
0x106: {  	s19 =	sadd.s32 s3, s24  }
0x107: {  	[tilespmem:s6], [sflag:$0x2] =	stream.linear.gather [hbm4b:s19+s2], $0x80, $0x38;
	[tilespmem:$0x16400] =	vst v63  }
0x108: {  	s20 =	sadd.s32 s3, s25  }
0x109: {  	[tilespmem:s0], [sflag:$0x2] =	stream.linear.gather [hbm4b:s20+s2], $0x80, $0x38;
	[tilespmem:$0x16400] =	vst v63  }
0x10a: {  	s23 =	sadd.s32 $0xC700, s21;
	s24 =	sadd.s32 s3, s28  }
0x10b: {  	[tilespmem:s23], [sflag:$0x2] =	stream.linear.gather [hbm4b:s24+s2], $0x80, $0x38;
	[tilespmem:$0x16400] =	vst v63  }
0x10c: {  	s25 =	sadd.s32 s3, s30  }
0x10d: {  	[tilespmem:s26], [sflag:$0x2] =	stream.linear.gather [hbm4b:s25+s2], $0x80, $0x38;
	[tilespmem:$0x16400] =	vst v63  }
0x10e: {  	s28 =	sadd.s32 $0xC800, s21;
	s26 =	sshrl.u32 s31, $0x3  }
0x10f: {  	s7 =	sor.u32 s9, s8;
	s30 =	sadd.s32 $0xC880, s21;
	s0 =	sadd.s32 s3, s26  }
0x110: {  	[tilespmem:s28], [sflag:$0x2] =	stream.linear.gather [hbm4b:s0+s2], $0x80, $0x38;
	[tilespmem:$0x16400] =	vst v63  }
0x111: {  	s9 =	spop (v2sf);
	s4 =	sshrl.u32 s22, $0x3;
	s31 =	sadd.s32 s3, s29  }
0x112: {  	(v2sf) =	vpush v1, $0xF;
	[tilespmem:s30], [sflag:$0x2] =	stream.linear.gather [hbm4b:s31+s2], $0x80, $0x38;
	[tilespmem:$0x16400] =	vst v63  }
0x113: {  	(v2sf) =	vpush v0, $0xF;
	s6 =	sadd.s32 $0xC900, s21;
	s0 =	sadd.s32 s3, s4  }
0x114: {  	[tilespmem:s6], [sflag:$0x2] =	stream.linear.gather [hbm4b:s0+s2], $0x80, $0x38;
	[tilespmem:$0x16400] =	vst v63  }
0x115: {  	s0 =	sshrl.u32 s7, $0x3  }
0x116: {  	s8 =	sadd.s32 $0xC980, s21;
	s0 =	sadd.s32 s3, s0  }
0x117: {  	[tilespmem:s8], [sflag:$0x2] =	stream.linear.gather [hbm4b:s0+s2], $0x80, $0x38;
	[tilespmem:$0x16400] =	vst v63  }
0x118: {  	s0 =	sor.u32 s9, s5  }
0x119: {  	s11 =	spop (v2sf);
	s0 =	sshrl.u32 s0, $0x3  }
0x11a: {  	s10 =	sadd.s32 $0xCA00, s21;
	s12 =	spop (v2sf);
	s0 =	sadd.s32 s3, s0  }
0x11b: {  	[tilespmem:s10], [sflag:$0x2] =	stream.linear.gather [hbm4b:s0+s2], $0x80, $0x38;
	[tilespmem:$0x16400] =	vst v63  }
0x11c: {  	s0 =	sor.u32 s12, s11  }
0x11d: {  	s18 =	spop (v2sf);
	s0 =	sshrl.u32 s0, $0x3  }
0x11e: {  	s13 =	sadd.s32 $0xCA80, s21;
	s19 =	spop (v2sf);
	s0 =	sadd.s32 s3, s0  }
0x11f: {  	[tilespmem:s13], [sflag:$0x2] =	stream.linear.gather [hbm4b:s0+s2], $0x80, $0x38;
	[tilespmem:$0x16400] =	vst v63  }
0x120: {  	s0 =	sor.u32 s18, s19  }
0x121: {  	s22 =	spop (v2sf);
	s0 =	sshrl.u32 s0, $0x3  }
0x122: {  	s20 =	sadd.s32 $0xCB00, s21;
	s23 =	spop (v2sf);
	s0 =	sadd.s32 s3, s0  }
0x123: {  	[tilespmem:s20], [sflag:$0x2] =	stream.linear.gather [hbm4b:s0+s2], $0x80, $0x38;
	[tilespmem:$0x16400] =	vst v63  }
0x124: {  	s0 =	sor.u32 s23, s22  }
0x125: {  	s0 =	sshrl.u32 s0, $0x3  }
0x126: {  	s24 =	sadd.s32 $0xCB80, s21;
	s26 =	simm.s32 $0x1;
	s0 =	sadd.s32 s3, s0  }
0x127: {  	[tilespmem:s24], [sflag:$0x2] =	stream.linear.gather [hbm4b:s0+s2], $0x80, $0x38;
	[tilespmem:$0x16400] =	vst v63  }
0x128: {  	s25 =	smul.u32 $0x280, s15;
	_ =	swait.ge [sflag:s26], $0xA000  }
0x129: {  	p0 =	seq.s32 s15, $0x9;
	s28 =	rddreg [dreg:$0x6]  }
0x12a: {  	s30 =	simm.s32 $0x2400;
	s31 =	simm.s32 $0x3;
	s0 =	sadd.s32 s28, s25  }
0x12b: {  	[sflag:s26] =	ssyncset.done $0x0;
	s29 =	rddreg [dreg:$0x5];
	s0 =	sshll.u32 s0, $0x4  }
.Ltmp6:
0x12c: {  	[sflag:s26] =	ssyncadd.s32 $0xFFFF6000;
	s0 =	sadd.s32 s29, s0;
	(pc) =	sbr.rel @p0 .LBB2_10-.Ltmp6, $4  }
0x12d: {  	[hbm4b:s0+s2] =	stream.linear.scatter [tilespmem:s30], [sflag:$0x3], $0xA000, $0x38;
	[tilespmem:$0x16400] =	vst v63  }
0x12e: {  	_ =	swait.ge [sflag:s31], $0xA000  }
0x12f: {  	[sflag:s31] =	ssyncset.done $0x0  }
0x130: {  	[sflag:s31] =	ssyncadd.s32 $0xFFFF6000  }
0x131: {  	s0 =	sadd.s32 $0x2, s17  }
0x132: {  	s1 =	sshrl.u32 s0, $0x3  }
0x133: {  	s1 =	smul.u32 $0x3000, s1  }
0x134: {  	s0 =	sshll.u32 s0, $0x7  }
0x135: {  	s0 =	sand.u32 $0x300, s0;
	s1 =	sshra.s32 s1, $0x2  }
0x136: {  	s0 =	sor.u32 s0, s1  }
0x137: {  	s17 =	simm.s32 $0x0;
	[dreg:$0x4] =	wrdreg s0  }
0x138: {  	s24 =	sand.u32 $0xC00, s17;
	s0 =	rddreg [dreg:$0x4]  }
0x139: {  	s4 =	sand.u32 $0x70, s17;
	s0 =	sadd.s32 s24, s0  }
0x13a: {  	s0 =	sadd.s32 s4, s0  }
0x13b: {  	v0 =	vld [tilespmem:s0+$0x0];
	_ =	sdelay $0x4  }
0x13c: {  	v1 =	vshrl.u32 v0, $0x3  }
0x13d: {  	v0 =	vand.u32 $0x7, v0;
	v1 =	vshll.u32 v1, $0xA  }
0x13e: {  	v0 =	vshll.u32 v0, $0x7;
	(v2sf) =	vpush v1, $0x9  }
0x13f: {  	(v2sf) =	vpush v0, $0xA  }
0x140: {  	(v2sf) =	vpush v0, $0x9  }
0x141: {  	(v2sf) =	vpush v0, $0x8  }
0x142: {  	(v2sf) =	vpush v1, $0x5  }
0x143: {  	(v2sf) =	vpush v1, $0xA  }
0x144: {  	(v2sf) =	vpush v0, $0x3  }
0x145: {  	(v2sf) =	vpush v1, $0x4  }
0x146: {  	(v2sf) =	vpush v0, $0x4  }
0x147: {  	(v2sf) =	vpush v1, $0x6  }
0x148: {  	(v2sf) =	vpush v0, $0x5  }
0x149: {  	(v2sf) =	vpush v1, $0x2  }
0x14a: {  	(v2sf) =	vpush v0, $0x6  }
0x14b: {  	(v2sf) =	vpush v1, $0x7  }
0x14c: {  	(v2sf) =	vpush v0, $0x7  }
0x14d: {  	s25 =	spop (v2sf);
	(v2sf) =	vpush v1, $0x8  }
0x14e: {  	s26 =	spop (v2sf);
	(v2sf) =	vpush v1, $0x0  }
0x14f: {  	s5 =	spop (v2sf);
	(v2sf) =	vpush v1, $0x3  }
0x150: {  	s6 =	spop (v2sf);
	(v2sf) =	vpush v0, $0x1  }
0x151: {  	s8 =	spop (v2sf)  }
0x152: {  	s9 =	spop (v2sf)  }
0x153: {  	s1 =	spop (v2sf)  }
0x154: {  	s10 =	spop (v2sf)  }
0x155: {  	s11 =	spop (v2sf);
	(v2sf) =	vpush v0, $0x2  }
0x156: {  	s18 =	simm.s32 $0x2000;
	s12 =	spop (v2sf);
	(v2sf) =	vpush v0, $0x0  }
0x157: {  	s20 =	simm.s32 $0x0;
	s23 =	simm.s32 $0x2780;
	s13 =	spop (v2sf);
	(v2sf) =	vpush v1, $0xB  }
0x158: {  	s31 =	simm.s32 $0x2680;
	s0 =	simm.s32 $0x2600;
	s7 =	spop (v2sf);
	(v2sf) =	vpush v0, $0xB  }
0x159: {  	s5 =	sor.u32 s5, s25;
	s21 =	sor.u32 s26, s9;
	s9 =	spop (v2sf);
	(v2sf) =	vpush v1, $0xC  }
0x15a: {  	s28 =	sshrl.u32 s5, $0x3;
	s4 =	sor.u32 s11, s10;
	s11 =	spop (v2sf);
	(v2sf) =	vpush v1, $0x1  }
0x15b: {  	s24 =	sshrl.u32 s4, $0x3;
	s10 =	sor.u32 s13, s8;
	s13 =	spop (v2sf);
	(v2sf) =	vpush v0, $0xC  }
0x15c: {  	s25 =	sshrl.u32 s10, $0x3;
	s12 =	sor.u32 s9, s12;
	(v2sf) =	vpush v1, $0xD;
	s22 =	spop (v2sf)  }
0x15d: {  	s26 =	sshrl.u32 s12, $0x3;
	s19 =	sor.u32 s13, s11;
	(v2sf) =	vpush v0, $0xD;
	s10 =	spop (v2sf)  }
0x15e: {  	s29 =	sshrl.u32 s19, $0x3;
	s30 =	sor.u32 s6, s22;
	(v2sf) =	vpush v0, $0xE;
	s12 =	spop (v2sf)  }
0x15f: {  	s6 =	simm.s32 $0x2580;
	s19 =	simm.s32 $0x0;
	(v2sf) =	vpush v1, $0xE;
	s13 =	spop (v2sf)  }
.LBB2_8:
0x160: {  	_ =	sdelay $0x3  }
0x161: {  	s4 =	sadd.s32 $0x2500, s20;
	s5 =	spop (v2sf)  }
0x162: {  	s1 =	sor.u32 s1, s12;
	s12 =	sadd.s32 $0x2400, s20;
	s9 =	spop (v2sf)  }
0x163: {  	s26 =	sadd.s32 s3, s26;
	s17 =	sadd.s32 $0x10, s17;
	s11 =	spop (v2sf)  }
0x164: {  	s8 =	sshrl.u32 s1, $0x3;
	s1 =	sor.u32 s9, s10;
	s9 =	spop (v2sf)  }
0x165: {  	s5 =	sor.u32 s5, s7;
	s1 =	sshrl.u32 s1, $0x3;
	s7 =	spop (v2sf)  }
0x166: {  	s10 =	sadd.s32 s3, s1;
	s1 =	sor.u32 s9, s11;
	s11 =	spop (v2sf)  }
0x167: {  	(v2sf) =	vpush v1, $0xF;
	[tilespmem:s12], [sflag:$0x1] =	stream.linear.gather [hbm4b:s10+s2], $0x80, $0x38;
	[tilespmem:$0x16400] =	vst v63  }
0x168: {  	s19 =	sadd.s32 $0x80, s19;
	s5 =	sshrl.u32 s5, $0x3;
	s12 =	sor.u32 s13, s11  }
0x169: {  	(v2sf) =	vpush v0, $0xF;
	s5 =	sadd.s32 s3, s5;
	s13 =	spop (v2sf);
	s9 =	sshrl.u32 s12, $0x3  }
0x16a: {  	s10 =	sadd.s32 $0x2480, s20;
	s12 =	spop (v2sf);
	s9 =	sadd.s32 s3, s9  }
0x16b: {  	[tilespmem:s10], [sflag:$0x1] =	stream.linear.gather [hbm4b:s9+s2], $0x80, $0x38;
	[tilespmem:$0x16400] =	vst v63  }
0x16c: {  	s1 =	sshrl.u32 s1, $0x3;
	s7 =	sor.u32 s13, s7;
	s13 =	spop (v2sf)  }
0x16d: {  	[tilespmem:s4], [sflag:$0x1] =	stream.linear.gather [hbm4b:s5+s2], $0x80, $0x38;
	[tilespmem:$0x16400] =	vst v63  }
0x16e: {  	s10 =	sor.u32 s13, s12;
	s11 =	spop (v2sf);
	s12 =	sadd.s32 s3, s8  }
0x16f: {  	[tilespmem:s6], [sflag:$0x1] =	stream.linear.gather [hbm4b:s12+s2], $0x80, $0x38;
	[tilespmem:$0x16400] =	vst v63  }
0x170: {  	s1 =	sadd.s32 s3, s1;
	s9 =	sadd.s32 s3, s24;
	s13 =	spop (v2sf)  }
0x171: {  	[tilespmem:s0], [sflag:$0x1] =	stream.linear.gather [hbm4b:s9+s2], $0x80, $0x38;
	[tilespmem:$0x16400] =	vst v63  }
0x172: {  	s5 =	sshrl.u32 s10, $0x3;
	s11 =	sor.u32 s11, s13;
	s13 =	sadd.s32 s3, s25  }
0x173: {  	[tilespmem:s31], [sflag:$0x1] =	stream.linear.gather [hbm4b:s13+s2], $0x80, $0x38;
	[tilespmem:$0x16400] =	vst v63  }
0x174: {  	s25 =	sadd.s32 $0x2700, s20;
	s10 =	sshrl.u32 s30, $0x3;
	s4 =	sshrl.u32 s11, $0x3  }
0x175: {  	[tilespmem:s25], [sflag:$0x1] =	stream.linear.gather [hbm4b:s26+s2], $0x80, $0x38;
	[tilespmem:$0x16400] =	vst v63  }
0x176: {  	s11 =	sadd.s32 $0x2800, s20;
	s12 =	spop (v2sf);
	s9 =	sadd.s32 s3, s29  }
0x177: {  	[tilespmem:s23], [sflag:$0x1] =	stream.linear.gather [hbm4b:s9+s2], $0x80, $0x38;
	[tilespmem:$0x16400] =	vst v63  }
0x178: {  	s8 =	sadd.s32 s3, s10;
	s24 =	spop (v2sf);
	s13 =	sadd.s32 s3, s28  }
0x179: {  	[tilespmem:s11], [sflag:$0x1] =	stream.linear.gather [hbm4b:s8+s2], $0x80, $0x38;
	[tilespmem:$0x16400] =	vst v63  }
0x17a: {  	s6 =	sor.u32 s24, s12;
	s12 =	sadd.s32 $0x2880, s20;
	s23 =	sshrl.u32 s21, $0x3  }
0x17b: {  	[tilespmem:s12], [sflag:$0x1] =	stream.linear.gather [hbm4b:s13+s2], $0x80, $0x38;
	[tilespmem:$0x16400] =	vst v63  }
0x17c: {  	s7 =	sshrl.u32 s7, $0x3;
	s24 =	sadd.s32 $0x2900, s20;
	s25 =	sadd.s32 s3, s23  }
0x17d: {  	[tilespmem:s24], [sflag:$0x1] =	stream.linear.gather [hbm4b:s25+s2], $0x80, $0x38;
	[tilespmem:$0x16400] =	vst v63  }
0x17e: {  	s7 =	sadd.s32 s3, s7;
	s10 =	sadd.s32 $0x2A80, s20;
	s26 =	sadd.s32 $0x2980, s20  }
0x17f: {  	[tilespmem:s26], [sflag:$0x1] =	stream.linear.gather [hbm4b:s1+s2], $0x80, $0x38;
	[tilespmem:$0x16400] =	vst v63  }
0x180: {  	s5 =	sadd.s32 s3, s5;
	s4 =	sadd.s32 s3, s4;
	s1 =	sadd.s32 $0x2A00, s20  }
0x181: {  	[tilespmem:s1], [sflag:$0x1] =	stream.linear.gather [hbm4b:s7+s2], $0x80, $0x38;
	[tilespmem:$0x16400] =	vst v63  }
0x182: {  	s6 =	sshrl.u32 s6, $0x3;
	s9 =	rddreg [dreg:$0x4];
	s11 =	sand.u32 $0xC00, s19  }
0x183: {  	[tilespmem:s10], [sflag:$0x1] =	stream.linear.gather [hbm4b:s5+s2], $0x80, $0x38;
	[tilespmem:$0x16400] =	vst v63  }
0x184: {  	s0 =	sadd.s32 s11, s9;
	s12 =	sadd.s32 $0x2B00, s20;
	s13 =	sand.u32 $0x70, s17  }
0x185: {  	[tilespmem:s12], [sflag:$0x1] =	stream.linear.gather [hbm4b:s4+s2], $0x80, $0x38;
	[tilespmem:$0x16400] =	vst v63  }
0x186: {  	s8 =	sadd.s32 $0x2B80, s20;
	s0 =	sadd.s32 s13, s0;
	s20 =	sadd.s32 s3, s6  }
0x187: {  	[tilespmem:s8], [sflag:$0x1] =	stream.linear.gather [hbm4b:s20+s2], $0x80, $0x38;
	[tilespmem:$0x16400] =	vst v63  }
0x188: {  	v0 =	vld [tilespmem:s0+$0x0];
	_ =	sdelay $0x4  }
0x189: {  	v1 =	vshrl.u32 v0, $0x3  }
0x18a: {  	v0 =	vand.u32 $0x7, v0;
	v1 =	vshll.u32 v1, $0xA  }
0x18b: {  	v0 =	vshll.u32 v0, $0x7;
	(v2sf) =	vpush v1, $0x9  }
0x18c: {  	(v2sf) =	vpush v0, $0xA  }
0x18d: {  	(v2sf) =	vpush v0, $0x9  }
0x18e: {  	(v2sf) =	vpush v0, $0x8  }
0x18f: {  	(v2sf) =	vpush v1, $0x5  }
0x190: {  	(v2sf) =	vpush v1, $0xA  }
0x191: {  	(v2sf) =	vpush v0, $0x3  }
0x192: {  	(v2sf) =	vpush v1, $0x4  }
0x193: {  	(v2sf) =	vpush v0, $0x4  }
0x194: {  	(v2sf) =	vpush v1, $0x6  }
0x195: {  	(v2sf) =	vpush v0, $0x5  }
0x196: {  	(v2sf) =	vpush v1, $0x2  }
0x197: {  	(v2sf) =	vpush v0, $0x6  }
0x198: {  	(v2sf) =	vpush v1, $0x7  }
0x199: {  	(v2sf) =	vpush v0, $0x7  }
0x19a: {  	(v2sf) =	vpush v1, $0x8;
	s21 =	spop (v2sf)  }
0x19b: {  	(v2sf) =	vpush v1, $0x0;
	s23 =	spop (v2sf)  }
0x19c: {  	(v2sf) =	vpush v1, $0x3;
	s24 =	spop (v2sf)  }
0x19d: {  	(v2sf) =	vpush v0, $0x1;
	s5 =	spop (v2sf)  }
0x19e: {  	s25 =	spop (v2sf)  }
0x19f: {  	s26 =	spop (v2sf)  }
0x1a0: {  	s1 =	spop (v2sf)  }
0x1a1: {  	s7 =	spop (v2sf)  }
0x1a2: {  	s22 =	smov.u32 s18;
	(v2sf) =	vpush v0, $0x2;
	s8 =	spop (v2sf)  }
0x1a3: {  	p0 =	sne.s32 s18, $0x26000;
	s20 =	sshra.s32 s22, $0x2;
	(v2sf) =	vpush v0, $0x0;
	s9 =	spop (v2sf)  }
0x1a4: {  	s18 =	sadd.s32 $0x2000, s18;
	s31 =	sadd.s32 $0x2680, s20;
	(v2sf) =	vpush v1, $0xB;
	s10 =	spop (v2sf)  }
0x1a5: {  	s4 =	sor.u32 s24, s21;
	(v2sf) =	vpush v0, $0xB;
	s6 =	sor.u32 s8, s7;
	s7 =	spop (v2sf)  }
0x1a6: {  	s28 =	sshrl.u32 s4, $0x3;
	s21 =	sor.u32 s23, s26;
	(v2sf) =	vpush v1, $0xC;
	s11 =	spop (v2sf)  }
0x1a7: {  	s23 =	sadd.s32 $0x2780, s20;
	(v2sf) =	vpush v1, $0x1;
	s24 =	sshrl.u32 s6, $0x3;
	s12 =	spop (v2sf)  }
.Ltmp7:
0x1a8: {  	s0 =	sor.u32 s10, s25;
	(v2sf) =	vpush v0, $0xC;
	s13 =	spop (v2sf);
	(pc) =	sbr.rel @p0 .LBB2_8-.Ltmp7, $4  }
0x1a9: {  	s25 =	sshrl.u32 s0, $0x3;
	(v2sf) =	vpush v1, $0xD;
	s0 =	sor.u32 s11, s9;
	s22 =	spop (v2sf)  }
0x1aa: {  	(v2sf) =	vpush v0, $0xD;
	s26 =	sshrl.u32 s0, $0x3;
	s0 =	sor.u32 s13, s12;
	s10 =	spop (v2sf)  }
0x1ab: {  	s6 =	sadd.s32 $0x2580, s20;
	(v2sf) =	vpush v0, $0xE;
	s29 =	sshrl.u32 s0, $0x3;
	s12 =	spop (v2sf)  }
0x1ac: {  	s0 =	sadd.s32 $0x2600, s20;
	s30 =	sor.u32 s5, s22;
	(v2sf) =	vpush v1, $0xE;
	s13 =	spop (v2sf)  }
0x1ad: {  	_ =	sdelay $0x3  }
0x1ae: {  	s4 =	spop (v2sf)  }
0x1af: {  	s5 =	spop (v2sf)  }
0x1b0: {  	s5 =	sor.u32 s5, s10  }
0x1b1: {  	s8 =	spop (v2sf);
	s5 =	sshrl.u32 s5, $0x3  }
0x1b2: {  	s11 =	sadd.s32 $0x2400, s20;
	s9 =	spop (v2sf);
	s5 =	sadd.s32 s3, s5  }
0x1b3: {  	[tilespmem:s11], [sflag:$0x1] =	stream.linear.gather [hbm4b:s5+s2], $0x80, $0x38;
	[tilespmem:$0x16400] =	vst v63  }
0x1b4: {  	s5 =	spop (v2sf)  }
0x1b5: {  	s17 =	spop (v2sf)  }
0x1b6: {  	s1 =	sor.u32 s1, s12;
	s18 =	sor.u32 s13, s17  }
0x1b7: {  	s19 =	sadd.s32 $0x2480, s20;
	s4 =	sor.u32 s4, s7;
	s7 =	sshrl.u32 s18, $0x3  }
0x1b8: {  	s25 =	sadd.s32 s3, s25;
	s4 =	sshrl.u32 s4, $0x3;
	s7 =	sadd.s32 s3, s7  }
0x1b9: {  	[tilespmem:s19], [sflag:$0x1] =	stream.linear.gather [hbm4b:s7+s2], $0x80, $0x38;
	[tilespmem:$0x16400] =	vst v63  }
0x1ba: {  	s1 =	sshrl.u32 s1, $0x3;
	s4 =	sadd.s32 s3, s4;
	s11 =	sadd.s32 $0x2500, s20  }
0x1bb: {  	[tilespmem:s11], [sflag:$0x1] =	stream.linear.gather [hbm4b:s4+s2], $0x80, $0x38;
	[tilespmem:$0x16400] =	vst v63  }
0x1bc: {  	s12 =	sshrl.u32 s30, $0x3;
	s1 =	sadd.s32 s3, s1;
	s22 =	spop (v2sf)  }
0x1bd: {  	[tilespmem:s6], [sflag:$0x1] =	stream.linear.gather [hbm4b:s1+s2], $0x80, $0x38;
	[tilespmem:$0x16400] =	vst v63  }
0x1be: {  	s13 =	spop (v2sf);
	s17 =	sor.u32 s22, s5;
	s22 =	sadd.s32 s3, s24  }
0x1bf: {  	(v2sf) =	vpush v1, $0xF;
	[tilespmem:s0], [sflag:$0x1] =	stream.linear.gather [hbm4b:s22+s2], $0x80, $0x38;
	[tilespmem:$0x16400] =	vst v63  }
0x1c0: {  	s21 =	sshrl.u32 s21, $0x3;
	s10 =	sadd.s32 s3, s26;
	s18 =	spop (v2sf)  }
0x1c1: {  	(v2sf) =	vpush v0, $0xF;
	[tilespmem:s31], [sflag:$0x1] =	stream.linear.gather [hbm4b:s25+s2], $0x80, $0x38;
	[tilespmem:$0x16400] =	vst v63  }
0x1c2: {  	s7 =	sor.u32 s9, s8;
	s19 =	sor.u32 s18, s13;
	s9 =	sadd.s32 $0x2700, s20  }
0x1c3: {  	[tilespmem:s9], [sflag:$0x1] =	stream.linear.gather [hbm4b:s10+s2], $0x80, $0x38;
	[tilespmem:$0x16400] =	vst v63  }
0x1c4: {  	s24 =	spop (v2sf);
	s18 =	sadd.s32 $0x2880, s20;
	s11 =	sadd.s32 s3, s29  }
0x1c5: {  	[tilespmem:s23], [sflag:$0x1] =	stream.linear.gather [hbm4b:s11+s2], $0x80, $0x38;
	[tilespmem:$0x16400] =	vst v63  }
0x1c6: {  	s1 =	sshrl.u32 s17, $0x3;
	s17 =	sadd.s32 $0x2800, s20;
	s6 =	sadd.s32 s3, s12  }
0x1c7: {  	[tilespmem:s17], [sflag:$0x1] =	stream.linear.gather [hbm4b:s6+s2], $0x80, $0x38;
	[tilespmem:$0x16400] =	vst v63  }
0x1c8: {  	s7 =	sshrl.u32 s7, $0x3;
	s4 =	sshrl.u32 s19, $0x3;
	s19 =	sadd.s32 s3, s28  }
0x1c9: {  	[tilespmem:s18], [sflag:$0x1] =	stream.linear.gather [hbm4b:s19+s2], $0x80, $0x38;
	[tilespmem:$0x16400] =	vst v63  }
0x1ca: {  	s22 =	sadd.s32 $0x2900, s20;
	s31 =	spop (v2sf);
	s23 =	sadd.s32 s3, s21  }
0x1cb: {  	[tilespmem:s22], [sflag:$0x1] =	stream.linear.gather [hbm4b:s23+s2], $0x80, $0x38;
	[tilespmem:$0x16400] =	vst v63  }
0x1cc: {  	s7 =	sadd.s32 s3, s7;
	s0 =	sor.u32 s24, s31;
	s24 =	sadd.s32 $0x2980, s20  }
0x1cd: {  	[tilespmem:s24], [sflag:$0x1] =	stream.linear.gather [hbm4b:s7+s2], $0x80, $0x38;
	[tilespmem:$0x16400] =	vst v63  }
0x1ce: {  	s26 =	sadd.s32 $0x2A00, s20;
	s1 =	sadd.s32 s3, s1;
	s13 =	spop (v2sf)  }
0x1cf: {  	[tilespmem:s26], [sflag:$0x1] =	stream.linear.gather [hbm4b:s1+s2], $0x80, $0x38;
	[tilespmem:$0x16400] =	vst v63  }
0x1d0: {  	s29 =	sadd.s32 $0x2A80, s20;
	s4 =	sadd.s32 s3, s4;
	s25 =	spop (v2sf)  }
0x1d1: {  	[tilespmem:s29], [sflag:$0x1] =	stream.linear.gather [hbm4b:s4+s2], $0x80, $0x38;
	[tilespmem:$0x16400] =	vst v63  }
.Ltmp8:
0x1d2: {  	s0 =	sshrl.u32 s0, $0x3;
	s28 =	sor.u32 s25, s13;
	(pc) =	sbr.rel .LBB2_10-.Ltmp8, $4  }
0x1d3: {  	s30 =	sadd.s32 $0x2B00, s20;
	s0 =	sadd.s32 s3, s0;
	s1 =	sshrl.u32 s28, $0x3  }
0x1d4: {  	[tilespmem:s30], [sflag:$0x1] =	stream.linear.gather [hbm4b:s0+s2], $0x80, $0x38;
	[tilespmem:$0x16400] =	vst v63  }
0x1d5: {  	s31 =	sadd.s32 $0x2B80, s20;
	s1 =	sadd.s32 s3, s1  }
0x1d6: {  	[tilespmem:s31], [sflag:$0x1] =	stream.linear.gather [hbm4b:s1+s2], $0x80, $0x38;
	[tilespmem:$0x16400] =	vst v63  }
.LBB2_12:
0x1d7: {  	_ =	sfence.sel $0x180000  }
0x1d8: {  	[bflag:$0x0] =	sbarrier.arrive $0xFFFF  }
0x1d9: {  	_ =	strace $0x90000047  }
0x1da: {  	s0 =	stileid.u32;
	[bflag:$0x2] =	sbarrier.arrive $0xFFFF  }
0x1db: {  	p0 =	sne.s32 s0, $0x0;
	s0 =	rddreg [dreg:$0x2]  }
0x1dc: {  	s0 =	sadd.s32 @!p0 $0x100000, s0  }
0x1dd: {  	[sflag:s0] =	ssyncadd.tile.s32 @!p0 $0x1;
	_ =	shalt  }
.Lfunc_end2:
_tile_overlayer_lowered:
.L_overlay_start_2:
0x1de: {  	(tag) =	ssettag $0x2  }
0x1df: {  	s0 =	rddreg [dreg:$0x0];
	s2 =	stileid.u32  }
0x1e0: {  	s1 =	rddreg [dreg:$0x1];
	p0 =	sne.s32 s2, $0x0  }
0x1e1: {  	s3 =	rddreg [dreg:$0x2];
	[bflag:$0x3] =	sbarrier.arrive $0xFFFF;
	s2 =	simm.s32 @!p0 $0x1C03  }
0x1e2: {  	[timem:s3], [sflag:s2] =	dma.local @!p0 [hbm:s0], s1  }
0x1e3: {  	s0 =	simm.s32 @!p0 $0x3  }
0x1e4: {  	_ =	swait.ge @!p0 [sflag:s0], s1  }
0x1e5: {  	s1 =	ssub.s32 @!p0 $0x0, s1;
	[sflag:s0] =	ssyncset.done @!p0 $0x0  }
0x1e6: {  	[sflag:s0] =	ssyncadd.s32 @!p0 s1  }
0x1e7: {  	[bflag:$0x3] =	sbarrier.arrive $0xFFFF  }
0x1e8: {  	_ =	shalt  }

// kernel: sparse-core-data-format-call.cloned.1.call-start
scs
called_computation_lowered:
.L_overlay_start_0:
0x0: {  	s2 =	sld [smem:$0x3FD9]  }
0x1: {  	s3 =	sld [smem:$0x3FFE];
	_ =	sdelay $0x1  }
0x2: {  	s1 =	srdreg.scid  }
0x3: {  	s0 =	sand.u32 $0x1, s1  }
0x4: {  	s18 =	sshll.u32 s0, $0xA;
	s2 =	sadd.s32 s3, s2  }
0x5: {  	s2 =	sadd.s32 s2, s18  }
0x6: {  	[smem:$0x3FC6] =	sst s2  }
0x7: {  	_ = 	snop  }
0x8: {  	s2 =	sld [smem:$0x3FD0];
	(tm) =	ssettm $0x1  }
0x9: {  	s19 =	sld [smem:$0x3FFB];
	_ =	sdelay $0x3  }
0xa: {  	_ =	strace s19  }
0xb: {  	s3 =	sld [smem:$0x3FFC];
	_ =	sdelay $0x3  }
0xc: {  	_ =	strace s3  }
0xd: {  	s3 =	sld [smem:$0x3FFD];
	_ =	sdelay $0x3  }
0xe: {  	_ =	strace s3  }
0xf: {  	_ =	strace $0x8FFFFFFF  }
0x10: {  	s20 =	sld [smem:$0x3FDB];
	_ =	sdelay $0x1  }
0x11: {  	s4 =	simm.s32 $_scs_section_size  }
0x12: {  	s5 =	simm.s32 $_size__tile_overlayer_lowered;
	s6 =	simm.s32 $_tile_overlayer_lowered  }
0x13: {  	s23 =	simm.s32 $0x1BFF;
	s22 =	sshll.u32 s6, $0x1;
	s3 =	sadd.s32 s4, s20  }
0x14: {  	s7 =	simm.s32 $0x0;
	s21 =	sshll.u32 s5, $0x1;
	s5 =	sadd.s32 s22, s3  }
0x15: {  	[timem:s7], [sflag:s23] =	dma.local [hbm:s5], s21  }
0x16: {  	_ =	swait.ge [sflag:s23], s21  }
0x17: {  	s4 =	ssub.s32 $0x0, s21;
	[sflag:s23] =	ssyncset.done $0x0  }
0x18: {  	[sflag:s23] =	ssyncadd.s32 s4;
	_ =	sdelay $0x1  }
0x19: {  	s24 =	simm.s32 $0x1B8B  }
0x1a: {  	_ =	swait.ge [sflag:s24], $0x1  }
0x1b: {  	[sflag:s24] =	ssyncset.done $0x0  }
0x1c: {  	s26 =	simm.s32 $0x1B8E;
	s25 =	sld [smem:$0x3FFE];
	[sflag:s24] =	ssyncadd.s32 $0xFFFFFFFF  }
0x1d: {  	s27 =	simm.s32 $execute0_lowered;
	[smem:$0x3FD2] =	sst s26  }
0x1e: {  	s5 =	sshll.u32 s27, $0x1;
	_ =	strace $0x80000049;
	[dreg:$0x1] =	wrdreg $0xFFFFFFFF  }
0x1f: {  	s28 =	simm.s32 $_size_execute0_lowered;
	s3 =	sadd.s32 s3, s5;
	[dreg:$0x0] =	wrdreg $0x0  }
0x20: {  	s5 =	sshll.u32 s28, $0x1;
	[dreg:$0x2] =	wrdreg s3  }
0x21: {  	[dreg:$0x3] =	wrdreg s5  }
0x22: {  	[dreg:$0x4] =	wrdreg $0xC0  }
0x23: {  	_ =	task [dreg:s7], $0x5FFFF  }
0x24: {  	[dreg:$0x1] =	wrdreg $0xFFFFFFFF  }
0x25: {  	[dreg:$0x0] =	wrdreg $0x60  }
0x26: {  	[dreg:$0x2] =	wrdreg s25  }
0x27: {  	[dreg:$0x3] =	wrdreg s2  }
0x28: {  	[dreg:$0x4] =	wrdreg $0x9  }
0x29: {  	_ =	task.clear_ibuf [dreg:s7], $0x5FFFF;
	_ =	strace $0x90000049  }
0x2a: {  	s29 =	simm.s32 $0x9;
	_ =	strace $0x8000004B  }
0x2b: {  	_ =	swait.ge [sflag:s29], $0x1  }
0x2c: {  	[sflag:s29] =	ssyncadd.s32 $0xFFFFFFFF  }
0x2d: {  	_ =	strace $0x9000004B  }
0x2e: {  	_ =	sfence  }
0x2f: {  	s30 =	sld [smem:$0x0];
	_ =	sdelay $0x2  }
0x30: {  	s31 =	sshll.u32 s1, $0xD;
	s1 =	sshrl.u32 s1, $0x2  }
0x31: {  	s3 =	sand.u32 $0x4000, s31;
	s1 =	sadd.s32 s1, s30  }
0x32: {  	s0 =	sor.u32 s3, s0;
	s1 =	sshll.u32 s1, $0x11  }
0x33: {  	s0 =	sor.u32 s1, s0  }
0x34: {  	s0 =	sadd.s32 $0x8F2B, s0  }
0x35: {  	[sflag:s0] =	ssyncadd.remote.s32 $0x1  }
0x36: {  	_ =	sfence.sel $0xFFFF  }
0x37: {  	[dreg:$0x0] =	wrdreg $0xFFFFFFFF;
	(pc) =	sbr.abs _section_cstart, $3  }
0x38: {  	[dreg:$0x1] =	wrdreg $0xFFFFFFFF  }
0x39: {  	_ =	task.clear_ibuf [dreg:s7], $0x2FFFF;
	_ =	strace $0x9FFFFFFF  }
0x3a: {  	(tm) =	ssettm $0x7FFFFFFF  }
0x3b: {  	_ =	shalt  }
tec
execute0_lowered:
.L_overlay_start_1:
0x0: {  	(tag) =	ssettag $0x1  }
0x1: {  	s0 =	stileid.u32;
	s6 =	rddreg [dreg:$0x0]  }
0x2: {  	s2 =	rddreg [dreg:$0x1];
	s5 =	srdreg.scid  }
0x3: {  	s31 =	simm.s32 $0x2;
	s13 =	simm.s32 $0x0;
	s1 =	sshll.u32 s0, $0x7  }
0x4: {  	s14 =	simm.s32 $0x0;
	s12 =	simm.s32 $0x0;
	s3 =	sand.u32 $0x380, s1  }
0x5: {  	s5 =	sshll.u32 s5, $0x4;
	s6 =	sadd.s32 $0xF42C00, s6;
	s4 =	ssub.s32 $0x400, s3  }
0x6: {  	s1 =	rddreg [dreg:$0x2];
	_ =	strace $0x8000004A;
	s7 =	sand.u32 $0x380, s4  }
0x7: {  	s5 =	sand.u32 $0x10, s5;
	p0 =	sne.s32 s7, $0x0;
	s7 =	simm.s32 $0x1  }
.Ltmp0:
0x8: {  	s8 =	sshrl.u32 s4, $0xA;
	s7 =	simm.s32 @!p0 $0x0;
	(pc) =	sbr.rel .LBB1_1-.Ltmp0, $4  }
0x9: {  	s9 =	sor.u32 s0, s5;
	s4 =	simm.s32 $0x1;
	s30 =	sadd.s32 s7, s8  }
0xa: {  	s11 =	smov.u32 s3;
	[sflag:s4] =	ssyncpa.u1 $0x0;
	s5 =	smul.u32 $0x32, s30  }
0xb: {  	[sflag:s31] =	ssyncpa.u1 $0x0;
	p0 =	por $0x0, $0x0;
	s7 =	sshrl.u32 s9, $0x3  }
0xc: {  	s9 =	simm.s32 $0x2000;
	s10 =	smov.u32 s7;
	s8 =	sor.u32 $0x1, s5  }
.LBB1_4:
0xd: {  	s17 =	sand.u32 $0x1F80, s14;
	s13 =	sshll.u32 s13, $0xD  }
0xe: {  	[tilespmem:s16+$0x810 ss:$0x81] =	vst.msk $0xffff, v2;
	s18 =	sshrl.u32 s14, $0x3;
	s31 =	sand.u32 $0x7, s14;
	s17 =	sadd.s32 s2, s17  }
0xf: {  	[tilespmem:s16+$0x1020 ss:$0x81] =	vst.msk $0xffff, v0;
	s18 =	sand.u32 $0xF, s18;
	s14 =	sshll.u32 s31, $0x12;
	s13 =	sadd.s32 s13, s17  }
0x10: {  	[tilespmem:s16+$0x0 ss:$0x81] =	vst.msk $0xffff, v1;
	s14 =	sor.u32 $0x400, s14;
	s13 =	sadd.s32 s18, s13  }
0x11: {  	[hbm4b:s13+s14] =	stream.strided.scatter [tilespmem:s15], [sflag:$0x2], $0x2000, s9, s14, $0x20;
	[tilespmem:$0x8080] =	vst v63  }
.LBB1_5:
0x12: {  	s15 =	sadd.s32 $0x4, s10  }
0x13: {  	s13 =	sadd.s32 $0x400, s11;
	s17 =	smov.u32 s11;
	p2 =	sgt.s32 s15, $0xC7  }
0x14: {  	s17 =	smov.u32 @p2 s13  }
0x15: {  	s15 =	smov.u32 @p2 s7;
	p2 =	sgt.s32 s17, $0x3FF  }
0x16: {  	s17 =	smov.u32 @p2 s3;
	p2 =	sne.s32 s12, s8  }
.Ltmp1:
0x17: {  	p1 =	slt.u32 s12, $0x2;
	(pc) =	sbr.rel @!p2 .LBB1_6-.Ltmp1, $4  }
0x18: {  	s16 =	simm.s32 @!p1 $0x2  }
0x19: {  	s14 =	smov.u32 s11;
	p0 =	por !p0, !p0;
	_ =	swait.ge @!p1 [sflag:s16], $0x2000  }
0x1a: {  	s13 =	smov.u32 s10;
	[sflag:s16] =	ssyncset.done @!p1 $0x0;
	s10 =	smov.u32 s15  }
0x1b: {  	s12 =	sadd.s32 $0x1, s12;
	[sflag:s16] =	ssyncadd.s32 @!p1 $0xFFFFE000;
	s11 =	smov.u32 s17  }
.LBB1_1:
0x1c: {  	p1 =	sge.u32 s12, s5  }
0x1d: {  	s15 =	sand.u32 @!p1 $0x1FFFFFF, s10  }
0x1e: {  	s16 =	smulhi.u32 @!p1 $0x147AE15, s15;
	_ =	sdelay $0x1  }
0x1f: {  	s16 =	smul.u32 @!p1 $0xC8, s16  }
0x20: {  	s17 =	sxor.u32 @!p1 $0xFFFFFFFF, s12;
	s18 =	smul.u32 @!p1 $0xC80, s11  }
0x21: {  	s31 =	sadd.s32 $0xFFFFFFFF, s12;
	s17 =	sshll.u32 @!p1 s17, $0xD;
	s15 =	ssub.s32 @!p1 s15, s16  }
0x22: {  	s16 =	sand.u32 @!p1 $0x2000, s17;
	s17 =	sadd.s32 @!p1 s6, s18;
	s15 =	sshll.u32 @!p1 s15, $0x4  }
0x23: {  	s18 =	simm.s32 @!p1 $0x6400;
	s15 =	sadd.s32 @!p1 s15, s17;
	s17 =	simm.s32 @!p1 $0x40  }
0x24: {  	[tilespmem:s16], [sflag:$0x1] =	stream.strided.gather @!p1 [hbm4b:s15+s17], $0x2000, s18, s17, $0x38;
	[tilespmem:$0x8080] =	vst v63  }
0x25: {  	p1 =	sge.u32 s31, s5  }
.Ltmp2:
0x26: {  	_ = 	snop;
	(pc) =	sbr.rel @p1 .LBB1_5-.Ltmp2, $1  }
0x27: {  	_ =	sdelay $0x3  }
0x28: {  	s15 =	simm.s32 $0x1  }
0x29: {  	_ =	swait.ge [sflag:s4], $0x2000;
	s15 =	simm.s32 @!p0 $0x0  }
0x2a: {  	[sflag:s4] =	ssyncset.done $0x0;
	s16 =	sshll.u32 s15, $0xD  }
0x2b: {  	[sflag:s4] =	ssyncadd.s32 $0xFFFFE000;
	s19 =	sor.u32 $0x20, s16  }
0x2c: {  	s15 =	smul.u32 $0x8100, s15;
	v3 =	vld [tilespmem:s19+$0x10]  }
0x2d: {  	s30 =	sand.u32 $0x1, s12;
	v2 =	vld [tilespmem:s19+$0xFFFFFFF0]  }
0x2e: {  	s16 =	smul.u32 $0x8100, s30;
	s15 =	sshrl.u32 s15, $0x2;
	v0 =	vld [tilespmem:s19+$0x0]  }
0x2f: {  	v1 =	vld [tilespmem:s19+$0xFFFFFFE0];
	s17 =	sor.u32 $0x4000, s15  }
0x30: {  	s31 =	sshrl.u32 s16, $0x2;
	s16 =	sadd.s32 $0x0, s17  }
0x31: {  	s18 =	simm.s32 $0x4;
	s19 =	sadd.s32 $0x40, s19;
	s15 =	sor.u32 $0x4000, s31;
	[tilespmem:s16+$0x1830 ss:$0x81] =	vst.msk $0xffff, v3  }
.LBB1_3:
0x32: {  	v3 =	vld [tilespmem:s19+$0x10];
	p1 =	sne.s32 s18, $0x1FC;
	[tilespmem:s16+$0x810 ss:$0x81] =	vst.msk $0xffff, v2;
	s20 =	smov.u32 s18;
	s18 =	sadd.s32 $0x4, s18  }
.Ltmp3:
0x33: {  	v2 =	vld [tilespmem:s19+$0xFFFFFFF0];
	[tilespmem:s16+$0x1020 ss:$0x81] =	vst.msk $0xffff, v0;
	(pc) =	sbr.rel @p1 .LBB1_3-.Ltmp3, $4  }
0x34: {  	v0 =	vld [tilespmem:s19+$0x0];
	[tilespmem:s16+$0x0 ss:$0x81] =	vst.msk $0xffff, v1  }
0x35: {  	s16 =	sshra.s32 s20, $0x2;
	v1 =	vld [tilespmem:s19+$0xFFFFFFE0]  }
0x36: {  	s16 =	sadd.s32 s16, s17  }
0x37: {  	s19 =	sadd.s32 $0x40, s19;
	[tilespmem:s16+$0x1830 ss:$0x81] =	vst.msk $0xffff, v3  }
.Ltmp4:
0x38: {  	_ = 	snop;
	(pc) =	sbr.rel .LBB1_4-.Ltmp4, $1  }
0x39: {  	_ =	sdelay $0x3  }
.LBB1_6:
0x3a: {  	_ =	sfence.sel $0x180000  }
0x3b: {  	s2 =	simm.s32 $0x1;
	[bflag:$0x0] =	sbarrier.arrive $0xFFFF  }
0x3c: {  	s31 =	simm.s32 $0x2;
	[sflag:s2] =	ssyncpa.u1 $0x1  }
0x3d: {  	[sflag:s31] =	ssyncpa.u1 $0x1  }
0x3e: {  	p0 =	sne.s32 s0, $0x0;
	_ =	strace $0x9000004A  }
0x3f: {  	s0 =	sadd.s32 @!p0 $0x100000, s1;
	[bflag:$0x2] =	sbarrier.arrive $0xFFFF  }
0x40: {  	[sflag:s0] =	ssyncadd.tile.s32 @!p0 $0x1;
	_ =	shalt  }
.Lfunc_end1:
_tile_overlayer_lowered:
.L_overlay_start_2:
0x41: {  	(tag) =	ssettag $0x2  }
0x42: {  	s0 =	rddreg [dreg:$0x0];
	s2 =	stileid.u32  }
0x43: {  	s1 =	rddreg [dreg:$0x1];
	p0 =	sne.s32 s2, $0x0  }
0x44: {  	s3 =	rddreg [dreg:$0x2];
	[bflag:$0x3] =	sbarrier.arrive $0xFFFF;
	s2 =	simm.s32 @!p0 $0x1C01  }
0x45: {  	[timem:s3], [sflag:s2] =	dma.local @!p0 [hbm:s0], s1  }
0x46: {  	s0 =	simm.s32 @!p0 $0x1  }
0x47: {  	_ =	swait.ge @!p0 [sflag:s0], s1  }
0x48: {  	s1 =	ssub.s32 @!p0 $0x0, s1;
	[sflag:s0] =	ssyncset.done @!p0 $0x0  }
0x49: {  	[sflag:s0] =	ssyncadd.s32 @!p0 s1  }
0x4a: {  	[bflag:$0x3] =	sbarrier.arrive $0xFFFF  }
0x4b: {  	_ =	shalt  }

</sc_bundles>
